<compile_context>
chip_gen: v7x
topology: tpu7x:2x2x1
jax: 0.10.2.dev20260603
libtpu: 0.0.44.dev20260713+nightly
codegen_flags: <defaults>
</compile_context>

<pallas_src>
import functools

import jax
import jax.numpy as jnp
from jax import lax
from jax.experimental import pallas as pl
from jax.experimental.pallas import tpu as pltpu
from jax.experimental.pallas import tpu_sc as plsc

_RESIZE = 224.0
_PATCH = 14.0
_GRID = 16

_NC = 2
_NS = 16
_NW = _NC * _NS


def _prep_body(params_ref, scale_ref, x_ref, y_ref, z_ref, pt_ref, w1b_ref,
               idx_ref, g_ref):
    b = pl.program_id(0)
    x = x_ref[0]
    y = y_ref[0]
    z = z_ref[0]
    rt = [params_ref[0, 0, j] for j in range(12)]
    kk = [params_ref[0, 0, 12 + j] for j in range(9)]
    cam = [rt[4 * i + 0] * x + rt[4 * i + 1] * y + rt[4 * i + 2] * z +
           rt[4 * i + 3] for i in range(3)]
    cam = [c.astype(jnp.bfloat16).astype(jnp.float32) for c in cam]
    pix = [kk[3 * i + 0] * cam[0] + kk[3 * i + 1] * cam[1] +
           kk[3 * i + 2] * cam[2] for i in range(3)]
    den = pix[2] + 1e-6
    u = (pix[0] / den) * scale_ref[0, 0]
    v = (pix[1] / den) * scale_ref[0, 1]
    px = jnp.clip((u / _PATCH).astype(jnp.int32), 0, _GRID - 1)
    py = jnp.clip((v / _PATCH).astype(jnp.int32), 0, _GRID - 1)
    m = pt_ref.shape[2]
    idx_ref[0] = px * _GRID + py + b * m

    t = (pt_ref[0, 0] + pt_ref[0, 1]) * 0.5
    g_ref[0] = jnp.dot(t, w1b_ref[...], preferred_element_type=jnp.float32)


def _prep(params, scale, xs, ys, zs, patch_tokens, w1b):
    B, nv, M, dim = patch_tokens.shape
    V = xs.shape[2]
    hidden = w1b.shape[1]
    return pl.pallas_call(
        _prep_body,
        grid=(B,),
        in_specs=[
            pl.BlockSpec((1, 1, params.shape[2]), lambda b: (b, 0, 0),
                         memory_space=pltpu.SMEM),
            pl.BlockSpec((1, 2), lambda b: (0, 0), memory_space=pltpu.SMEM),
            pl.BlockSpec((1, 1, V), lambda b: (b, 0, 0)),
            pl.BlockSpec((1, 1, V), lambda b: (b, 0, 0)),
            pl.BlockSpec((1, 1, V), lambda b: (b, 0, 0)),
            pl.BlockSpec((1, nv, M, dim), lambda b: (b, 0, 0, 0)),
            pl.BlockSpec((dim, hidden), lambda b: (0, 0)),
        ],
        out_specs=[
            pl.BlockSpec((1, 1, V), lambda b: (b, 0, 0)),
            pl.BlockSpec((1, M, hidden), lambda b: (b, 0, 0)),
        ],
        out_shape=[
            jax.ShapeDtypeStruct((B, 1, V), jnp.int32),
            jax.ShapeDtypeStruct((B, M, hidden), jnp.float32),
        ],
    )(params, scale, xs, ys, zs, patch_tokens, w1b)


def _make_sc_gather(n_rows, n_table_rows, hidden, chunk, nbuf):
    rows_per_w = n_rows // _NW
    n_chunks = rows_per_w // chunk
    n_super = n_chunks // nbuf
    assert n_super * nbuf == n_chunks
    mesh = plsc.VectorSubcoreMesh(core_axis_name="c", subcore_axis_name="s")

    @functools.partial(
        pl.kernel,
        mesh=mesh,
        out_type=jax.ShapeDtypeStruct((n_rows, hidden), jnp.float32),
        scratch_types=[
            pltpu.VMEM((n_chunks, chunk), jnp.int32),
            pltpu.VMEM((nbuf, chunk, hidden), jnp.float32),
        ] + [pltpu.SemaphoreType.DMA] * (2 * nbuf),
    )
    def gather_k(idx_hbm, g_hbm, out_hbm, idx_v, rows_v, *sems):
        wid = lax.axis_index("s") * _NC + lax.axis_index("c")
        base = wid * rows_per_w
        gsems = list(sems[:nbuf])
        osems = list(sems[nbuf:])

        pltpu.sync_copy(idx_hbm.at[wid], idx_v)

        for b in range(nbuf):
            pltpu.async_copy(g_hbm.at[idx_v.at[b]], rows_v.at[b], gsems[b])

        @pl.loop(0, n_super)
        def _super(g):
            for b in range(nbuf):
                c = g * nbuf + b
                pltpu.make_async_copy(
                    g_hbm.at[pl.ds(0, chunk)], rows_v.at[b], gsems[b]).wait()
                pltpu.async_copy(
                    rows_v.at[b],
                    out_hbm.at[pl.ds(base + c * chunk, chunk)], osems[b])
                pltpu.make_async_copy(
                    rows_v.at[b], out_hbm.at[pl.ds(0, chunk)],
                    osems[b]).wait()

                @pl.when(g < n_super - 1)
                def _():
                    pltpu.async_copy(g_hbm.at[idx_v.at[c + nbuf]],
                                     rows_v.at[b], gsems[b])

    return gather_k


def _mlp_body(vf_ref, img_ref, w1a_ref, b1_ref, w2_ref, b2_ref, out_ref):
    h = jnp.dot(vf_ref[...], w1a_ref[...], preferred_element_type=jnp.float32)
    h = jnp.maximum(h + img_ref[...] + b1_ref[...], 0.0)
    out_ref[...] = (jnp.dot(h, w2_ref[...], preferred_element_type=jnp.float32)
                    + b2_ref[...])


def _mlp(vf, img, w1a, b1, w2, b2, tile):
    n, pfd = vf.shape
    hidden = w1a.shape[1]
    out_dim = w2.shape[1]
    return pl.pallas_call(
        _mlp_body,
        grid=(n // tile,),
        in_specs=[
            pl.BlockSpec((tile, pfd), lambda i: (i, 0)),
            pl.BlockSpec((tile, hidden), lambda i: (i, 0)),
            pl.BlockSpec((pfd, hidden), lambda i: (0, 0)),
            pl.BlockSpec((1, hidden), lambda i: (0, 0)),
            pl.BlockSpec((hidden, out_dim), lambda i: (0, 0)),
            pl.BlockSpec((1, out_dim), lambda i: (0, 0)),
        ],
        out_specs=pl.BlockSpec((tile, out_dim), lambda i: (i, 0)),
        out_shape=jax.ShapeDtypeStruct((n, out_dim), jnp.float32),
    )(vf, img, w1a, b1, w2, b2)


def kernel(patch_tokens, voxel_features, voxel_coords, image_sizes, K, Rt,
           W1, b1, W2, b2):
    B, nv, M, dim = patch_tokens.shape
    V = voxel_features.shape[1]
    pfd = voxel_features.shape[2]
    hidden = W1.shape[1]
    out_dim = W2.shape[1]
    n_rows = B * V

    def _bf(a):
        return a.astype(jnp.bfloat16).astype(jnp.float32)

    xs = _bf(voxel_coords[..., 0][:, None, :])
    ys = _bf(voxel_coords[..., 1][:, None, :])
    zs = _bf(voxel_coords[..., 2][:, None, :])
    params = _bf(jnp.concatenate([Rt.reshape(B, 1, 12), K.reshape(B, 1, 9)],
                                 axis=2))
    scale = (_RESIZE / image_sizes[0].astype(jnp.float32)).reshape(1, 2)

    idx3, g = _prep(params, scale, xs, ys, zs, patch_tokens, W1[pfd:, :])

    chunk, nbuf = 64, 4
    n_chunks = n_rows // _NW // chunk
    gather_k = _make_sc_gather(n_rows, B * M, hidden, chunk=chunk, nbuf=nbuf)
    img = gather_k(idx3.reshape(_NW, n_chunks, chunk), g.reshape(B * M, hidden))

    out = _mlp(voxel_features.reshape(n_rows, pfd), img, W1[:pfd, :],
               b1.reshape(1, hidden), W2, b2.reshape(1, out_dim), tile=2048)
    return out.reshape(B, V, out_dim)

# --- scband reference (transcript-rebuilt; emitter-appended) ---
"""Pipeline reference for scband-feature-fusion-model-23330262351963 (READ-ONLY COPY).

The authoritative reference and input builder live on the scoring server;
editing this copy changes nothing except your own understanding.
"""

import jax, jax.numpy as jnp
import numpy as np

RESIZE_SIZE = 224
PATCH_SIZE = 14
GRID = RESIZE_SIZE // PATCH_SIZE  # 16, M = 256


def setup_inputs(seed: int = 0) -> dict:
    key = jax.random.key(seed)
    ks = jax.random.split(key, 8)
    B, num_views, M, dim = 4, 2, GRID * GRID, 384
    V = 16384
    point_feat_dim, hidden, out_dim = 64, 256, 16
    patch_tokens = jax.random.normal(ks[0], (B, num_views, M, dim), jnp.float32)
    voxel_features = jax.random.normal(ks[1], (B, V, point_feat_dim), jnp.float32)
    voxel_coords = jax.random.normal(ks[2], (B, V, 3), jnp.float32)
    image_sizes = jnp.ones((1, 2), jnp.int32)
    K = jax.random.normal(ks[3], (B, 1, 3, 3), jnp.float32)
    Rt = jax.random.normal(ks[4], (B, 1, 3, 4), jnp.float32)
    W1 = jax.random.normal(ks[5], (point_feat_dim + dim, hidden), jnp.float32) * 0.05
    b1 = jnp.zeros((hidden,), jnp.float32)
    W2 = jax.random.normal(ks[6], (hidden, out_dim), jnp.float32) * 0.05
    b2 = jnp.zeros((out_dim,), jnp.float32)
    return {"patch_tokens": patch_tokens, "voxel_features": voxel_features,
            "voxel_coords": voxel_coords, "image_sizes": image_sizes,
            "K": K, "Rt": Rt, "W1": W1, "b1": b1, "W2": W2, "b2": b2}


def _forward(patch_tokens, voxel_features, voxel_coords, K, Rt, W1, b1, W2, b2, image_sizes):
    B, V, _ = voxel_features.shape
    # voxel_to_pixel
    ones = jnp.ones((B, V, 1), voxel_coords.dtype)
    points_h = jnp.concatenate([voxel_coords, ones], axis=-1)          # [B,V,4]
    cam_pts = jnp.squeeze(jnp.matmul(Rt, points_h[..., None]), -1)     # [B,1,3,4]@[B,V,4,1]->[B,V,3]
    pix = jnp.squeeze(jnp.matmul(K, cam_pts[..., None]), -1)           # [B,V,3]
    u = pix[..., 0] / (pix[..., 2] + 1e-06)
    v = pix[..., 1] / (pix[..., 2] + 1e-06)
    pixel_coords = jnp.stack([u, v], axis=-1)                          # [B,V,2]
    # scale_pixel_coords
    W_orig = image_sizes[0, 0].astype(jnp.float32)
    H_orig = image_sizes[0, 1].astype(jnp.float32)
    scale = jnp.stack([RESIZE_SIZE / W_orig, RESIZE_SIZE / H_orig]).reshape(1, 1, 2)
    pixel_coords = pixel_coords * scale
    patch_xy = (pixel_coords / float(PATCH_SIZE)).astype(jnp.int32)    # trunc toward zero, like .long()
    px = jnp.clip(patch_xy[..., 0], 0, GRID - 1)
    py = jnp.clip(patch_xy[..., 1], 0, GRID - 1)
    flat_idx = px * GRID + py                                          # [B,V]
    # per-view gather: point_patch_tokens[b, view, v, :] = patch_tokens[b, view, flat_idx[b, v], :]
    gathered = jnp.take_along_axis(patch_tokens, flat_idx[:, None, :, None], axis=2)  # [B,views,V,dim]
    fused_img_feat = gathered.mean(axis=1)                             # mean over views -> [B,V,dim]
    fused = jnp.concatenate([voxel_features, fused_img_feat], axis=-1)
    h = jax.nn.relu(jnp.matmul(fused, W1) + b1)
    return jnp.matmul(h, W2) + b2


def reference(patch_tokens, voxel_features, voxel_coords, image_sizes, K, Rt, W1, b1, W2, b2):
    return _forward(patch_tokens, voxel_features, voxel_coords, K, Rt, W1, b1, W2, b2, image_sizes)

if __name__ == "__main__":
    import jax
    _d = setup_inputs()
    print(jax.jit(kernel)(*tuple(_d.values())))

</pallas_src>

<mosaic_0001>
#map = affine_map<(d0, d1) -> (0, 0, 0)>
#map1 = affine_map<(d0, d1) -> (0, 0)>
module attributes {stable_mosaic.version = 14 : i64} {
  func.func @gather_k(%arg0: i32, %arg1: i32, %arg2: memref<32x32x64xi32, #tpu.memory_space<hbm>>, %arg3: memref<1024x256xf32, #tpu.memory_space<hbm>>, %arg4: memref<65536x256xf32, #tpu.memory_space<hbm>>, %arg5: memref<32x64xi32, #tpu.memory_space<vmem>>, %arg6: memref<4x64x256xf32, #tpu.memory_space<vmem>>, %arg7: memref<!tpu.dma_semaphore, #tpu.memory_space<semaphore_mem>>, %arg8: memref<!tpu.dma_semaphore, #tpu.memory_space<semaphore_mem>>, %arg9: memref<!tpu.dma_semaphore, #tpu.memory_space<semaphore_mem>>, %arg10: memref<!tpu.dma_semaphore, #tpu.memory_space<semaphore_mem>>, %arg11: memref<!tpu.dma_semaphore, #tpu.memory_space<semaphore_mem>>, %arg12: memref<!tpu.dma_semaphore, #tpu.memory_space<semaphore_mem>>, %arg13: memref<!tpu.dma_semaphore, #tpu.memory_space<semaphore_mem>>, %arg14: memref<!tpu.dma_semaphore, #tpu.memory_space<semaphore_mem>>) attributes {dimension_semantics = [#tpu.dimension_semantics<core_parallel>, #tpu.dimension_semantics<subcore_parallel>], iteration_bounds = array<i64: 2, 16>, scalar_prefetch = 0 : i64, scratch_operands = 10 : i64, tpu.core_type = #tpu.core_type<sc_vector_subcore>, window_params = [{transform_indices = #map}, {transform_indices = #map1}, {transform_indices = #map1}]} {
    %mul3A = arith.constant 2 : i32
    %mul3A_0 = arith.muli %arg1, %mul3A : i32
    %add3A = arith.addi %mul3A_0, %arg0 : i32
    %mul3A_1 = arith.constant 2048 : i32
    %mul3A_2 = arith.muli %add3A, %mul3A_1 : i32
    "tpu.region"() ({
      %run_scoped3A = tpu.sem_alloc : memref<!tpu.dma_semaphore, #tpu.memory_space<semaphore_mem>>
      %dma_start3A_54 = arith.constant 0 : i32
      %dma_start3A_55 = arith.constant 0 : i32
      %dma_start3A_56 = tpu.memref_slice %arg2[%add3A, %dma_start3A_54, %dma_start3A_55] : memref<32x32x64xi32, #tpu.memory_space<hbm>> -> memref<1x32x64xi32, #tpu.memory_space<hbm>>
      %dma_start3A_57 = tpu.memref_squeeze %dma_start3A_56 : memref<1x32x64xi32, #tpu.memory_space<hbm>> -> memref<32x64xi32, #tpu.memory_space<hbm>>
      %dma_start3A_58 = arith.constant 0 : i32
      %dma_start3A_59 = arith.constant 0 : i32
      %dma_start3A_60 = tpu.memref_slice %arg2[%add3A, %dma_start3A_58, %dma_start3A_59] : memref<32x32x64xi32, #tpu.memory_space<hbm>> -> memref<1x32x64xi32, #tpu.memory_space<hbm>>
      %dma_start3A_61 = tpu.memref_squeeze %dma_start3A_60 : memref<1x32x64xi32, #tpu.memory_space<hbm>> -> memref<32x64xi32, #tpu.memory_space<hbm>>
      tpu.enqueue_dma source(%dma_start3A_61 : memref<32x64xi32, #tpu.memory_space<hbm>>) target(%arg5 : memref<32x64xi32, #tpu.memory_space<vmem>>) target_semaphore(%run_scoped3A : memref<!tpu.dma_semaphore, #tpu.memory_space<semaphore_mem>>)
      %dma_wait3A = arith.constant 0 : i32
      %dma_wait3A_62 = arith.constant 0 : i32
      %dma_wait3A_63 = tpu.memref_slice %arg2[%add3A, %dma_wait3A, %dma_wait3A_62] : memref<32x32x64xi32, #tpu.memory_space<hbm>> -> memref<1x32x64xi32, #tpu.memory_space<hbm>>
      %dma_wait3A_64 = tpu.memref_squeeze %dma_wait3A_63 : memref<1x32x64xi32, #tpu.memory_space<hbm>> -> memref<32x64xi32, #tpu.memory_space<hbm>>
      %dma_wait3A_65 = arith.constant 0 : i32
      %dma_wait3A_66 = arith.constant 0 : i32
      %dma_wait3A_67 = tpu.memref_slice %arg2[%add3A, %dma_wait3A_65, %dma_wait3A_66] : memref<32x32x64xi32, #tpu.memory_space<hbm>> -> memref<1x32x64xi32, #tpu.memory_space<hbm>>
      %dma_wait3A_68 = tpu.memref_squeeze %dma_wait3A_67 : memref<1x32x64xi32, #tpu.memory_space<hbm>> -> memref<32x64xi32, #tpu.memory_space<hbm>>
      tpu.wait_dma2 semaphore(%run_scoped3A : memref<!tpu.dma_semaphore, #tpu.memory_space<semaphore_mem>>) src(%dma_wait3A_68 : memref<32x64xi32, #tpu.memory_space<hbm>>) dst(%arg5 : memref<32x64xi32, #tpu.memory_space<vmem>>)
      tpu.yield
    }) : () -> ()
    %dma_start3A = arith.constant 0 : i32
    %dma_start3A_3 = arith.constant 0 : i32
    %dma_start3A_4 = arith.constant 0 : i32
    %dma_start3A_5 = arith.constant 0 : i32
    %dma_start3A_6 = tpu.memref_slice %arg6[%dma_start3A_3, %dma_start3A_4, %dma_start3A_5] : memref<4x64x256xf32, #tpu.memory_space<vmem>> -> memref<1x64x256xf32, #tpu.memory_space<vmem>>
    %dma_start3A_7 = tpu.memref_squeeze %dma_start3A_6 : memref<1x64x256xf32, #tpu.memory_space<vmem>> -> memref<64x256xf32, #tpu.memory_space<vmem>>
    %dma_start3A_8 = arith.constant 0 : i32
    %dma_start3A_9 = tpu.memref_slice %arg5[%dma_start3A, %dma_start3A_8] : memref<32x64xi32, #tpu.memory_space<vmem>> -> memref<1x64xi32, #tpu.memory_space<vmem>>
    %dma_start3A_10 = tpu.memref_squeeze %dma_start3A_9 : memref<1x64xi32, #tpu.memory_space<vmem>> -> memref<64xi32, #tpu.memory_space<vmem>>
    %dma_start3A_11 = arith.constant 0 : i32
    %dma_start3A_12 = arith.constant 0 : i32
    %dma_start3A_13 = tpu.memref_slice %arg3[%dma_start3A_11, %dma_start3A_12] : memref<1024x256xf32, #tpu.memory_space<hbm>> -> memref<1024x256xf32, #tpu.memory_space<hbm>>
    tpu.enqueue_indirect_dma source(%dma_start3A_13 : memref<1024x256xf32, #tpu.memory_space<hbm>>) target(%dma_start3A_7 : memref<64x256xf32, #tpu.memory_space<vmem>>) offsets(%dma_start3A_10 : memref<64xi32, #tpu.memory_space<vmem>>) semaphore(%arg7 : memref<!tpu.dma_semaphore, #tpu.memory_space<semaphore_mem>>)
    %dma_start3A_14 = arith.constant 1 : i32
    %dma_start3A_15 = arith.constant 1 : i32
    %dma_start3A_16 = arith.constant 0 : i32
    %dma_start3A_17 = arith.constant 0 : i32
    %dma_start3A_18 = tpu.memref_slice %arg6[%dma_start3A_15, %dma_start3A_16, %dma_start3A_17] : memref<4x64x256xf32, #tpu.memory_space<vmem>> -> memref<1x64x256xf32, #tpu.memory_space<vmem>>
    %dma_start3A_19 = tpu.memref_squeeze %dma_start3A_18 : memref<1x64x256xf32, #tpu.memory_space<vmem>> -> memref<64x256xf32, #tpu.memory_space<vmem>>
    %dma_start3A_20 = arith.constant 0 : i32
    %dma_start3A_21 = tpu.memref_slice %arg5[%dma_start3A_14, %dma_start3A_20] : memref<32x64xi32, #tpu.memory_space<vmem>> -> memref<1x64xi32, #tpu.memory_space<vmem>>
    %dma_start3A_22 = tpu.memref_squeeze %dma_start3A_21 : memref<1x64xi32, #tpu.memory_space<vmem>> -> memref<64xi32, #tpu.memory_space<vmem>>
    %dma_start3A_23 = arith.constant 0 : i32
    %dma_start3A_24 = arith.constant 0 : i32
    %dma_start3A_25 = tpu.memref_slice %arg3[%dma_start3A_23, %dma_start3A_24] : memref<1024x256xf32, #tpu.memory_space<hbm>> -> memref<1024x256xf32, #tpu.memory_space<hbm>>
    tpu.enqueue_indirect_dma source(%dma_start3A_25 : memref<1024x256xf32, #tpu.memory_space<hbm>>) target(%dma_start3A_19 : memref<64x256xf32, #tpu.memory_space<vmem>>) offsets(%dma_start3A_22 : memref<64xi32, #tpu.memory_space<vmem>>) semaphore(%arg8 : memref<!tpu.dma_semaphore, #tpu.memory_space<semaphore_mem>>)
    %dma_start3A_26 = arith.constant 2 : i32
    %dma_start3A_27 = arith.constant 2 : i32
    %dma_start3A_28 = arith.constant 0 : i32
    %dma_start3A_29 = arith.constant 0 : i32
    %dma_start3A_30 = tpu.memref_slice %arg6[%dma_start3A_27, %dma_start3A_28, %dma_start3A_29] : memref<4x64x256xf32, #tpu.memory_space<vmem>> -> memref<1x64x256xf32, #tpu.memory_space<vmem>>
    %dma_start3A_31 = tpu.memref_squeeze %dma_start3A_30 : memref<1x64x256xf32, #tpu.memory_space<vmem>> -> memref<64x256xf32, #tpu.memory_space<vmem>>
    %dma_start3A_32 = arith.constant 0 : i32
    %dma_start3A_33 = tpu.memref_slice %arg5[%dma_start3A_26, %dma_start3A_32] : memref<32x64xi32, #tpu.memory_space<vmem>> -> memref<1x64xi32, #tpu.memory_space<vmem>>
    %dma_start3A_34 = tpu.memref_squeeze %dma_start3A_33 : memref<1x64xi32, #tpu.memory_space<vmem>> -> memref<64xi32, #tpu.memory_space<vmem>>
    %dma_start3A_35 = arith.constant 0 : i32
    %dma_start3A_36 = arith.constant 0 : i32
    %dma_start3A_37 = tpu.memref_slice %arg3[%dma_start3A_35, %dma_start3A_36] : memref<1024x256xf32, #tpu.memory_space<hbm>> -> memref<1024x256xf32, #tpu.memory_space<hbm>>
    tpu.enqueue_indirect_dma source(%dma_start3A_37 : memref<1024x256xf32, #tpu.memory_space<hbm>>) target(%dma_start3A_31 : memref<64x256xf32, #tpu.memory_space<vmem>>) offsets(%dma_start3A_34 : memref<64xi32, #tpu.memory_space<vmem>>) semaphore(%arg9 : memref<!tpu.dma_semaphore, #tpu.memory_space<semaphore_mem>>)
    %dma_start3A_38 = arith.constant 3 : i32
    %dma_start3A_39 = arith.constant 3 : i32
    %dma_start3A_40 = arith.constant 0 : i32
    %dma_start3A_41 = arith.constant 0 : i32
    %dma_start3A_42 = tpu.memref_slice %arg6[%dma_start3A_39, %dma_start3A_40, %dma_start3A_41] : memref<4x64x256xf32, #tpu.memory_space<vmem>> -> memref<1x64x256xf32, #tpu.memory_space<vmem>>
    %dma_start3A_43 = tpu.memref_squeeze %dma_start3A_42 : memref<1x64x256xf32, #tpu.memory_space<vmem>> -> memref<64x256xf32, #tpu.memory_space<vmem>>
    %dma_start3A_44 = arith.constant 0 : i32
    %dma_start3A_45 = tpu.memref_slice %arg5[%dma_start3A_38, %dma_start3A_44] : memref<32x64xi32, #tpu.memory_space<vmem>> -> memref<1x64xi32, #tpu.memory_space<vmem>>
    %dma_start3A_46 = tpu.memref_squeeze %dma_start3A_45 : memref<1x64xi32, #tpu.memory_space<vmem>> -> memref<64xi32, #tpu.memory_space<vmem>>
    %dma_start3A_47 = arith.constant 0 : i32
    %dma_start3A_48 = arith.constant 0 : i32
    %dma_start3A_49 = tpu.memref_slice %arg3[%dma_start3A_47, %dma_start3A_48] : memref<1024x256xf32, #tpu.memory_space<hbm>> -> memref<1024x256xf32, #tpu.memory_space<hbm>>
    tpu.enqueue_indirect_dma source(%dma_start3A_49 : memref<1024x256xf32, #tpu.memory_space<hbm>>) target(%dma_start3A_43 : memref<64x256xf32, #tpu.memory_space<vmem>>) offsets(%dma_start3A_46 : memref<64xi32, #tpu.memory_space<vmem>>) semaphore(%arg10 : memref<!tpu.dma_semaphore, #tpu.memory_space<semaphore_mem>>)
    %scan3A = arith.constant 0 : i32
    %scan3A_50 = arith.constant 8 : i32
    %scan3A_51 = arith.addi %scan3A, %scan3A_50 : i32
    %scan3A_52 = arith.constant 1 : i32
    scf.for %scan3A_54 = %scan3A to %scan3A_51 step %scan3A_52  : i32 {
      %mul3A_55 = arith.constant 1 : i32
      %mul3A_56 = arith.muli %scan3A_54, %mul3A_55 : i32
      %add3A_57 = arith.constant 0 : i32
      %add3A_58 = arith.addi %add3A_57, %mul3A_56 : i32
      %mul3A_59 = arith.constant 4 : i32
      %mul3A_60 = arith.muli %add3A_58, %mul3A_59 : i32
      %add3A_61 = arith.constant 0 : i32
      %add3A_62 = arith.addi %mul3A_60, %add3A_61 : i32
      %dma_wait3A = arith.constant 0 : i32
      %dma_wait3A_63 = arith.constant 0 : i32
      %dma_wait3A_64 = arith.constant 0 : i32
      %dma_wait3A_65 = tpu.memref_slice %arg6[%dma_wait3A, %dma_wait3A_63, %dma_wait3A_64] : memref<4x64x256xf32, #tpu.memory_space<vmem>> -> memref<1x64x256xf32, #tpu.memory_space<vmem>>
      %dma_wait3A_66 = tpu.memref_squeeze %dma_wait3A_65 : memref<1x64x256xf32, #tpu.memory_space<vmem>> -> memref<64x256xf32, #tpu.memory_space<vmem>>
      %dma_wait3A_67 = arith.constant 0 : i32
      %dma_wait3A_68 = arith.constant 0 : i32
      %dma_wait3A_69 = tpu.memref_slice %arg3[%dma_wait3A_67, %dma_wait3A_68] : memref<1024x256xf32, #tpu.memory_space<hbm>> -> memref<64x256xf32, #tpu.memory_space<hbm>>
      %dma_wait3A_70 = arith.constant 0 : i32
      %dma_wait3A_71 = arith.constant 0 : i32
      %dma_wait3A_72 = tpu.memref_slice %arg6[%dma_wait3A, %dma_wait3A_70, %dma_wait3A_71] : memref<4x64x256xf32, #tpu.memory_space<vmem>> -> memref<1x64x256xf32, #tpu.memory_space<vmem>>
      %dma_wait3A_73 = tpu.memref_squeeze %dma_wait3A_72 : memref<1x64x256xf32, #tpu.memory_space<vmem>> -> memref<64x256xf32, #tpu.memory_space<vmem>>
      %dma_wait3A_74 = arith.constant 0 : i32
      %dma_wait3A_75 = arith.constant 0 : i32
      %dma_wait3A_76 = tpu.memref_slice %arg3[%dma_wait3A_74, %dma_wait3A_75] : memref<1024x256xf32, #tpu.memory_space<hbm>> -> memref<64x256xf32, #tpu.memory_space<hbm>>
      tpu.wait_dma2 semaphore(%arg7 : memref<!tpu.dma_semaphore, #tpu.memory_space<semaphore_mem>>) src(%dma_wait3A_76 : memref<64x256xf32, #tpu.memory_space<hbm>>) dst(%dma_wait3A_73 : memref<64x256xf32, #tpu.memory_space<vmem>>)
      %mul3A_77 = arith.constant 64 : i32
      %mul3A_78 = arith.muli %add3A_62, %mul3A_77 : i32
      %add3A_79 = arith.addi %mul3A_2, %mul3A_78 : i32
      %dma_start3A_80 = arith.constant 0 : i32
      %dma_start3A_81 = arith.constant 0 : i32
      %dma_start3A_82 = arith.constant 0 : i32
      %dma_start3A_83 = tpu.memref_slice %arg6[%dma_start3A_80, %dma_start3A_81, %dma_start3A_82] : memref<4x64x256xf32, #tpu.memory_space<vmem>> -> memref<1x64x256xf32, #tpu.memory_space<vmem>>
      %dma_start3A_84 = tpu.memref_squeeze %dma_start3A_83 : memref<1x64x256xf32, #tpu.memory_space<vmem>> -> memref<64x256xf32, #tpu.memory_space<vmem>>
      %dma_start3A_85 = arith.constant 0 : i32
      %dma_start3A_86 = tpu.memref_slice %arg4[%add3A_79, %dma_start3A_85] : memref<65536x256xf32, #tpu.memory_space<hbm>> -> memref<64x256xf32, #tpu.memory_space<hbm>>
      %dma_start3A_87 = arith.constant 0 : i32
      %dma_start3A_88 = tpu.memref_slice %arg4[%add3A_79, %dma_start3A_87] : memref<65536x256xf32, #tpu.memory_space<hbm>> -> memref<64x256xf32, #tpu.memory_space<hbm>>
      %dma_start3A_89 = arith.constant 0 : i32
      %dma_start3A_90 = arith.constant 0 : i32
      %dma_start3A_91 = tpu.memref_slice %arg6[%dma_start3A_80, %dma_start3A_89, %dma_start3A_90] : memref<4x64x256xf32, #tpu.memory_space<vmem>> -> memref<1x64x256xf32, #tpu.memory_space<vmem>>
      %dma_start3A_92 = tpu.memref_squeeze %dma_start3A_91 : memref<1x64x256xf32, #tpu.memory_space<vmem>> -> memref<64x256xf32, #tpu.memory_space<vmem>>
      tpu.enqueue_dma source(%dma_start3A_92 : memref<64x256xf32, #tpu.memory_space<vmem>>) target(%dma_start3A_88 : memref<64x256xf32, #tpu.memory_space<hbm>>) target_semaphore(%arg11 : memref<!tpu.dma_semaphore, #tpu.memory_space<semaphore_mem>>)
      %dma_wait3A_93 = arith.constant 0 : i32
      %dma_wait3A_94 = arith.constant 0 : i32
      %dma_wait3A_95 = arith.constant 0 : i32
      %dma_wait3A_96 = tpu.memref_slice %arg6[%dma_wait3A_93, %dma_wait3A_94, %dma_wait3A_95] : memref<4x64x256xf32, #tpu.memory_space<vmem>> -> memref<1x64x256xf32, #tpu.memory_space<vmem>>
      %dma_wait3A_97 = tpu.memref_squeeze %dma_wait3A_96 : memref<1x64x256xf32, #tpu.memory_space<vmem>> -> memref<64x256xf32, #tpu.memory_space<vmem>>
      %dma_wait3A_98 = arith.constant 0 : i32
      %dma_wait3A_99 = arith.constant 0 : i32
      %dma_wait3A_100 = tpu.memref_slice %arg4[%dma_wait3A_98, %dma_wait3A_99] : memref<65536x256xf32, #tpu.memory_space<hbm>> -> memref<64x256xf32, #tpu.memory_space<hbm>>
      %dma_wait3A_101 = arith.constant 0 : i32
      %dma_wait3A_102 = arith.constant 0 : i32
      %dma_wait3A_103 = tpu.memref_slice %arg4[%dma_wait3A_101, %dma_wait3A_102] : memref<65536x256xf32, #tpu.memory_space<hbm>> -> memref<64x256xf32, #tpu.memory_space<hbm>>
      %dma_wait3A_104 = arith.constant 0 : i32
      %dma_wait3A_105 = arith.constant 0 : i32
      %dma_wait3A_106 = tpu.memref_slice %arg6[%dma_wait3A_93, %dma_wait3A_104, %dma_wait3A_105] : memref<4x64x256xf32, #tpu.memory_space<vmem>> -> memref<1x64x256xf32, #tpu.memory_space<vmem>>
      %dma_wait3A_107 = tpu.memref_squeeze %dma_wait3A_106 : memref<1x64x256xf32, #tpu.memory_space<vmem>> -> memref<64x256xf32, #tpu.memory_space<vmem>>
      tpu.wait_dma2 semaphore(%arg11 : memref<!tpu.dma_semaphore, #tpu.memory_space<semaphore_mem>>) src(%dma_wait3A_107 : memref<64x256xf32, #tpu.memory_space<vmem>>) dst(%dma_wait3A_103 : memref<64x256xf32, #tpu.memory_space<hbm>>)
      %lt3A = arith.constant 7 : i32
      %lt3A_108 = arith.cmpi slt, %add3A_58, %lt3A : i32
      %convert_element_type3A = arith.extui %lt3A_108 : i1 to i32
      %cond3A = arith.constant 0 : i32
      %cond3A_109 = arith.cmpi ne, %convert_element_type3A, %cond3A : i32
      scf.if %cond3A_109 {
        %add3A_275 = arith.constant 4 : i32
        %add3A_276 = arith.addi %add3A_62, %add3A_275 : i32
        %dma_start3A_277 = arith.constant 0 : i32
        %dma_start3A_278 = arith.constant 0 : i32
        %dma_start3A_279 = arith.constant 0 : i32
        %dma_start3A_280 = tpu.memref_slice %arg6[%dma_start3A_277, %dma_start3A_278, %dma_start3A_279] : memref<4x64x256xf32, #tpu.memory_space<vmem>> -> memref<1x64x256xf32, #tpu.memory_space<vmem>>
        %dma_start3A_281 = tpu.memref_squeeze %dma_start3A_280 : memref<1x64x256xf32, #tpu.memory_space<vmem>> -> memref<64x256xf32, #tpu.memory_space<vmem>>
        %dma_start3A_282 = arith.constant 0 : i32
        %dma_start3A_283 = tpu.memref_slice %arg5[%add3A_276, %dma_start3A_282] : memref<32x64xi32, #tpu.memory_space<vmem>> -> memref<1x64xi32, #tpu.memory_space<vmem>>
        %dma_start3A_284 = tpu.memref_squeeze %dma_start3A_283 : memref<1x64xi32, #tpu.memory_space<vmem>> -> memref<64xi32, #tpu.memory_space<vmem>>
        %dma_start3A_285 = arith.constant 0 : i32
        %dma_start3A_286 = arith.constant 0 : i32
        %dma_start3A_287 = tpu.memref_slice %arg3[%dma_start3A_285, %dma_start3A_286] : memref<1024x256xf32, #tpu.memory_space<hbm>> -> memref<1024x256xf32, #tpu.memory_space<hbm>>
        tpu.enqueue_indirect_dma source(%dma_start3A_287 : memref<1024x256xf32, #tpu.memory_space<hbm>>) target(%dma_start3A_281 : memref<64x256xf32, #tpu.memory_space<vmem>>) offsets(%dma_start3A_284 : memref<64xi32, #tpu.memory_space<vmem>>) semaphore(%arg7 : memref<!tpu.dma_semaphore, #tpu.memory_space<semaphore_mem>>)
      } else {
      }
      %mul3A_110 = arith.constant 4 : i32
      %mul3A_111 = arith.muli %add3A_58, %mul3A_110 : i32
      %add3A_112 = arith.constant 1 : i32
      %add3A_113 = arith.addi %mul3A_111, %add3A_112 : i32
      %dma_wait3A_114 = arith.constant 1 : i32
      %dma_wait3A_115 = arith.constant 0 : i32
      %dma_wait3A_116 = arith.constant 0 : i32
      %dma_wait3A_117 = tpu.memref_slice %arg6[%dma_wait3A_114, %dma_wait3A_115, %dma_wait3A_116] : memref<4x64x256xf32, #tpu.memory_space<vmem>> -> memref<1x64x256xf32, #tpu.memory_space<vmem>>
      %dma_wait3A_118 = tpu.memref_squeeze %dma_wait3A_117 : memref<1x64x256xf32, #tpu.memory_space<vmem>> -> memref<64x256xf32, #tpu.memory_space<vmem>>
      %dma_wait3A_119 = arith.constant 0 : i32
      %dma_wait3A_120 = arith.constant 0 : i32
      %dma_wait3A_121 = tpu.memref_slice %arg3[%dma_wait3A_119, %dma_wait3A_120] : memref<1024x256xf32, #tpu.memory_space<hbm>> -> memref<64x256xf32, #tpu.memory_space<hbm>>
      %dma_wait3A_122 = arith.constant 0 : i32
      %dma_wait3A_123 = arith.constant 0 : i32
      %dma_wait3A_124 = tpu.memref_slice %arg6[%dma_wait3A_114, %dma_wait3A_122, %dma_wait3A_123] : memref<4x64x256xf32, #tpu.memory_space<vmem>> -> memref<1x64x256xf32, #tpu.memory_space<vmem>>
      %dma_wait3A_125 = tpu.memref_squeeze %dma_wait3A_124 : memref<1x64x256xf32, #tpu.memory_space<vmem>> -> memref<64x256xf32, #tpu.memory_space<vmem>>
      %dma_wait3A_126 = arith.constant 0 : i32
      %dma_wait3A_127 = arith.constant 0 : i32
      %dma_wait3A_128 = tpu.memref_slice %arg3[%dma_wait3A_126, %dma_wait3A_127] : memref<1024x256xf32, #tpu.memory_space<hbm>> -> memref<64x256xf32, #tpu.memory_space<hbm>>
      tpu.wait_dma2 semaphore(%arg8 : memref<!tpu.dma_semaphore, #tpu.memory_space<semaphore_mem>>) src(%dma_wait3A_128 : memref<64x256xf32, #tpu.memory_space<hbm>>) dst(%dma_wait3A_125 : memref<64x256xf32, #tpu.memory_space<vmem>>)
      %mul3A_129 = arith.constant 64 : i32
      %mul3A_130 = arith.muli %add3A_113, %mul3A_129 : i32
      %add3A_131 = arith.addi %mul3A_2, %mul3A_130 : i32
      %dma_start3A_132 = arith.constant 1 : i32
      %dma_start3A_133 = arith.constant 0 : i32
      %dma_start3A_134 = arith.constant 0 : i32
      %dma_start3A_135 = tpu.memref_slice %arg6[%dma_start3A_132, %dma_start3A_133, %dma_start3A_134] : memref<4x64x256xf32, #tpu.memory_space<vmem>> -> memref<1x64x256xf32, #tpu.memory_space<vmem>>
      %dma_start3A_136 = tpu.memref_squeeze %dma_start3A_135 : memref<1x64x256xf32, #tpu.memory_space<vmem>> -> memref<64x256xf32, #tpu.memory_space<vmem>>
      %dma_start3A_137 = arith.constant 0 : i32
      %dma_start3A_138 = tpu.memref_slice %arg4[%add3A_131, %dma_start3A_137] : memref<65536x256xf32, #tpu.memory_space<hbm>> -> memref<64x256xf32, #tpu.memory_space<hbm>>
      %dma_start3A_139 = arith.constant 0 : i32
      %dma_start3A_140 = tpu.memref_slice %arg4[%add3A_131, %dma_start3A_139] : memref<65536x256xf32, #tpu.memory_space<hbm>> -> memref<64x256xf32, #tpu.memory_space<hbm>>
      %dma_start3A_141 = arith.constant 0 : i32
      %dma_start3A_142 = arith.constant 0 : i32
      %dma_start3A_143 = tpu.memref_slice %arg6[%dma_start3A_132, %dma_start3A_141, %dma_start3A_142] : memref<4x64x256xf32, #tpu.memory_space<vmem>> -> memref<1x64x256xf32, #tpu.memory_space<vmem>>
      %dma_start3A_144 = tpu.memref_squeeze %dma_start3A_143 : memref<1x64x256xf32, #tpu.memory_space<vmem>> -> memref<64x256xf32, #tpu.memory_space<vmem>>
      tpu.enqueue_dma source(%dma_start3A_144 : memref<64x256xf32, #tpu.memory_space<vmem>>) target(%dma_start3A_140 : memref<64x256xf32, #tpu.memory_space<hbm>>) target_semaphore(%arg12 : memref<!tpu.dma_semaphore, #tpu.memory_space<semaphore_mem>>)
      %dma_wait3A_145 = arith.constant 1 : i32
      %dma_wait3A_146 = arith.constant 0 : i32
      %dma_wait3A_147 = arith.constant 0 : i32
      %dma_wait3A_148 = tpu.memref_slice %arg6[%dma_wait3A_145, %dma_wait3A_146, %dma_wait3A_147] : memref<4x64x256xf32, #tpu.memory_space<vmem>> -> memref<1x64x256xf32, #tpu.memory_space<vmem>>
      %dma_wait3A_149 = tpu.memref_squeeze %dma_wait3A_148 : memref<1x64x256xf32, #tpu.memory_space<vmem>> -> memref<64x256xf32, #tpu.memory_space<vmem>>
      %dma_wait3A_150 = arith.constant 0 : i32
      %dma_wait3A_151 = arith.constant 0 : i32
      %dma_wait3A_152 = tpu.memref_slice %arg4[%dma_wait3A_150, %dma_wait3A_151] : memref<65536x256xf32, #tpu.memory_space<hbm>> -> memref<64x256xf32, #tpu.memory_space<hbm>>
      %dma_wait3A_153 = arith.constant 0 : i32
      %dma_wait3A_154 = arith.constant 0 : i32
      %dma_wait3A_155 = tpu.memref_slice %arg4[%dma_wait3A_153, %dma_wait3A_154] : memref<65536x256xf32, #tpu.memory_space<hbm>> -> memref<64x256xf32, #tpu.memory_space<hbm>>
      %dma_wait3A_156 = arith.constant 0 : i32
      %dma_wait3A_157 = arith.constant 0 : i32
      %dma_wait3A_158 = tpu.memref_slice %arg6[%dma_wait3A_145, %dma_wait3A_156, %dma_wait3A_157] : memref<4x64x256xf32, #tpu.memory_space<vmem>> -> memref<1x64x256xf32, #tpu.memory_space<vmem>>
      %dma_wait3A_159 = tpu.memref_squeeze %dma_wait3A_158 : memref<1x64x256xf32, #tpu.memory_space<vmem>> -> memref<64x256xf32, #tpu.memory_space<vmem>>
      tpu.wait_dma2 semaphore(%arg12 : memref<!tpu.dma_semaphore, #tpu.memory_space<semaphore_mem>>) src(%dma_wait3A_159 : memref<64x256xf32, #tpu.memory_space<vmem>>) dst(%dma_wait3A_155 : memref<64x256xf32, #tpu.memory_space<hbm>>)
      %lt3A_160 = arith.constant 7 : i32
      %lt3A_161 = arith.cmpi slt, %add3A_58, %lt3A_160 : i32
      %convert_element_type3A_162 = arith.extui %lt3A_161 : i1 to i32
      %cond3A_163 = arith.constant 0 : i32
      %cond3A_164 = arith.cmpi ne, %convert_element_type3A_162, %cond3A_163 : i32
      scf.if %cond3A_164 {
        %add3A_275 = arith.constant 4 : i32
        %add3A_276 = arith.addi %add3A_113, %add3A_275 : i32
        %dma_start3A_277 = arith.constant 1 : i32
        %dma_start3A_278 = arith.constant 0 : i32
        %dma_start3A_279 = arith.constant 0 : i32
        %dma_start3A_280 = tpu.memref_slice %arg6[%dma_start3A_277, %dma_start3A_278, %dma_start3A_279] : memref<4x64x256xf32, #tpu.memory_space<vmem>> -> memref<1x64x256xf32, #tpu.memory_space<vmem>>
        %dma_start3A_281 = tpu.memref_squeeze %dma_start3A_280 : memref<1x64x256xf32, #tpu.memory_space<vmem>> -> memref<64x256xf32, #tpu.memory_space<vmem>>
        %dma_start3A_282 = arith.constant 0 : i32
        %dma_start3A_283 = tpu.memref_slice %arg5[%add3A_276, %dma_start3A_282] : memref<32x64xi32, #tpu.memory_space<vmem>> -> memref<1x64xi32, #tpu.memory_space<vmem>>
        %dma_start3A_284 = tpu.memref_squeeze %dma_start3A_283 : memref<1x64xi32, #tpu.memory_space<vmem>> -> memref<64xi32, #tpu.memory_space<vmem>>
        %dma_start3A_285 = arith.constant 0 : i32
        %dma_start3A_286 = arith.constant 0 : i32
        %dma_start3A_287 = tpu.memref_slice %arg3[%dma_start3A_285, %dma_start3A_286] : memref<1024x256xf32, #tpu.memory_space<hbm>> -> memref<1024x256xf32, #tpu.memory_space<hbm>>
        tpu.enqueue_indirect_dma source(%dma_start3A_287 : memref<1024x256xf32, #tpu.memory_space<hbm>>) target(%dma_start3A_281 : memref<64x256xf32, #tpu.memory_space<vmem>>) offsets(%dma_start3A_284 : memref<64xi32, #tpu.memory_space<vmem>>) semaphore(%arg8 : memref<!tpu.dma_semaphore, #tpu.memory_space<semaphore_mem>>)
      } else {
      }
      %mul3A_165 = arith.constant 4 : i32
      %mul3A_166 = arith.muli %add3A_58, %mul3A_165 : i32
      %add3A_167 = arith.constant 2 : i32
      %add3A_168 = arith.addi %mul3A_166, %add3A_167 : i32
      %dma_wait3A_169 = arith.constant 2 : i32
      %dma_wait3A_170 = arith.constant 0 : i32
      %dma_wait3A_171 = arith.constant 0 : i32
      %dma_wait3A_172 = tpu.memref_slice %arg6[%dma_wait3A_169, %dma_wait3A_170, %dma_wait3A_171] : memref<4x64x256xf32, #tpu.memory_space<vmem>> -> memref<1x64x256xf32, #tpu.memory_space<vmem>>
      %dma_wait3A_173 = tpu.memref_squeeze %dma_wait3A_172 : memref<1x64x256xf32, #tpu.memory_space<vmem>> -> memref<64x256xf32, #tpu.memory_space<vmem>>
      %dma_wait3A_174 = arith.constant 0 : i32
      %dma_wait3A_175 = arith.constant 0 : i32
      %dma_wait3A_176 = tpu.memref_slice %arg3[%dma_wait3A_174, %dma_wait3A_175] : memref<1024x256xf32, #tpu.memory_space<hbm>> -> memref<64x256xf32, #tpu.memory_space<hbm>>
      %dma_wait3A_177 = arith.constant 0 : i32
      %dma_wait3A_178 = arith.constant 0 : i32
      %dma_wait3A_179 = tpu.memref_slice %arg6[%dma_wait3A_169, %dma_wait3A_177, %dma_wait3A_178] : memref<4x64x256xf32, #tpu.memory_space<vmem>> -> memref<1x64x256xf32, #tpu.memory_space<vmem>>
      %dma_wait3A_180 = tpu.memref_squeeze %dma_wait3A_179 : memref<1x64x256xf32, #tpu.memory_space<vmem>> -> memref<64x256xf32, #tpu.memory_space<vmem>>
      %dma_wait3A_181 = arith.constant 0 : i32
      %dma_wait3A_182 = arith.constant 0 : i32
      %dma_wait3A_183 = tpu.memref_slice %arg3[%dma_wait3A_181, %dma_wait3A_182] : memref<1024x256xf32, #tpu.memory_space<hbm>> -> memref<64x256xf32, #tpu.memory_space<hbm>>
      tpu.wait_dma2 semaphore(%arg9 : memref<!tpu.dma_semaphore, #tpu.memory_space<semaphore_mem>>) src(%dma_wait3A_183 : memref<64x256xf32, #tpu.memory_space<hbm>>) dst(%dma_wait3A_180 : memref<64x256xf32, #tpu.memory_space<vmem>>)
      %mul3A_184 = arith.constant 64 : i32
      %mul3A_185 = arith.muli %add3A_168, %mul3A_184 : i32
      %add3A_186 = arith.addi %mul3A_2, %mul3A_185 : i32
      %dma_start3A_187 = arith.constant 2 : i32
      %dma_start3A_188 = arith.constant 0 : i32
      %dma_start3A_189 = arith.constant 0 : i32
      %dma_start3A_190 = tpu.memref_slice %arg6[%dma_start3A_187, %dma_start3A_188, %dma_start3A_189] : memref<4x64x256xf32, #tpu.memory_space<vmem>> -> memref<1x64x256xf32, #tpu.memory_space<vmem>>
      %dma_start3A_191 = tpu.memref_squeeze %dma_start3A_190 : memref<1x64x256xf32, #tpu.memory_space<vmem>> -> memref<64x256xf32, #tpu.memory_space<vmem>>
      %dma_start3A_192 = arith.constant 0 : i32
      %dma_start3A_193 = tpu.memref_slice %arg4[%add3A_186, %dma_start3A_192] : memref<65536x256xf32, #tpu.memory_space<hbm>> -> memref<64x256xf32, #tpu.memory_space<hbm>>
      %dma_start3A_194 = arith.constant 0 : i32
      %dma_start3A_195 = tpu.memref_slice %arg4[%add3A_186, %dma_start3A_194] : memref<65536x256xf32, #tpu.memory_space<hbm>> -> memref<64x256xf32, #tpu.memory_space<hbm>>
      %dma_start3A_196 = arith.constant 0 : i32
      %dma_start3A_197 = arith.constant 0 : i32
      %dma_start3A_198 = tpu.memref_slice %arg6[%dma_start3A_187, %dma_start3A_196, %dma_start3A_197] : memref<4x64x256xf32, #tpu.memory_space<vmem>> -> memref<1x64x256xf32, #tpu.memory_space<vmem>>
      %dma_start3A_199 = tpu.memref_squeeze %dma_start3A_198 : memref<1x64x256xf32, #tpu.memory_space<vmem>> -> memref<64x256xf32, #tpu.memory_space<vmem>>
      tpu.enqueue_dma source(%dma_start3A_199 : memref<64x256xf32, #tpu.memory_space<vmem>>) target(%dma_start3A_195 : memref<64x256xf32, #tpu.memory_space<hbm>>) target_semaphore(%arg13 : memref<!tpu.dma_semaphore, #tpu.memory_space<semaphore_mem>>)
      %dma_wait3A_200 = arith.constant 2 : i32
      %dma_wait3A_201 = arith.constant 0 : i32
      %dma_wait3A_202 = arith.constant 0 : i32
      %dma_wait3A_203 = tpu.memref_slice %arg6[%dma_wait3A_200, %dma_wait3A_201, %dma_wait3A_202] : memref<4x64x256xf32, #tpu.memory_space<vmem>> -> memref<1x64x256xf32, #tpu.memory_space<vmem>>
      %dma_wait3A_204 = tpu.memref_squeeze %dma_wait3A_203 : memref<1x64x256xf32, #tpu.memory_space<vmem>> -> memref<64x256xf32, #tpu.memory_space<vmem>>
      %dma_wait3A_205 = arith.constant 0 : i32
      %dma_wait3A_206 = arith.constant 0 : i32
      %dma_wait3A_207 = tpu.memref_slice %arg4[%dma_wait3A_205, %dma_wait3A_206] : memref<65536x256xf32, #tpu.memory_space<hbm>> -> memref<64x256xf32, #tpu.memory_space<hbm>>
      %dma_wait3A_208 = arith.constant 0 : i32
      %dma_wait3A_209 = arith.constant 0 : i32
      %dma_wait3A_210 = tpu.memref_slice %arg4[%dma_wait3A_208, %dma_wait3A_209] : memref<65536x256xf32, #tpu.memory_space<hbm>> -> memref<64x256xf32, #tpu.memory_space<hbm>>
      %dma_wait3A_211 = arith.constant 0 : i32
      %dma_wait3A_212 = arith.constant 0 : i32
      %dma_wait3A_213 = tpu.memref_slice %arg6[%dma_wait3A_200, %dma_wait3A_211, %dma_wait3A_212] : memref<4x64x256xf32, #tpu.memory_space<vmem>> -> memref<1x64x256xf32, #tpu.memory_space<vmem>>
      %dma_wait3A_214 = tpu.memref_squeeze %dma_wait3A_213 : memref<1x64x256xf32, #tpu.memory_space<vmem>> -> memref<64x256xf32, #tpu.memory_space<vmem>>
      tpu.wait_dma2 semaphore(%arg13 : memref<!tpu.dma_semaphore, #tpu.memory_space<semaphore_mem>>) src(%dma_wait3A_214 : memref<64x256xf32, #tpu.memory_space<vmem>>) dst(%dma_wait3A_210 : memref<64x256xf32, #tpu.memory_space<hbm>>)
      %lt3A_215 = arith.constant 7 : i32
      %lt3A_216 = arith.cmpi slt, %add3A_58, %lt3A_215 : i32
      %convert_element_type3A_217 = arith.extui %lt3A_216 : i1 to i32
      %cond3A_218 = arith.constant 0 : i32
      %cond3A_219 = arith.cmpi ne, %convert_element_type3A_217, %cond3A_218 : i32
      scf.if %cond3A_219 {
        %add3A_275 = arith.constant 4 : i32
        %add3A_276 = arith.addi %add3A_168, %add3A_275 : i32
        %dma_start3A_277 = arith.constant 2 : i32
        %dma_start3A_278 = arith.constant 0 : i32
        %dma_start3A_279 = arith.constant 0 : i32
        %dma_start3A_280 = tpu.memref_slice %arg6[%dma_start3A_277, %dma_start3A_278, %dma_start3A_279] : memref<4x64x256xf32, #tpu.memory_space<vmem>> -> memref<1x64x256xf32, #tpu.memory_space<vmem>>
        %dma_start3A_281 = tpu.memref_squeeze %dma_start3A_280 : memref<1x64x256xf32, #tpu.memory_space<vmem>> -> memref<64x256xf32, #tpu.memory_space<vmem>>
        %dma_start3A_282 = arith.constant 0 : i32
        %dma_start3A_283 = tpu.memref_slice %arg5[%add3A_276, %dma_start3A_282] : memref<32x64xi32, #tpu.memory_space<vmem>> -> memref<1x64xi32, #tpu.memory_space<vmem>>
        %dma_start3A_284 = tpu.memref_squeeze %dma_start3A_283 : memref<1x64xi32, #tpu.memory_space<vmem>> -> memref<64xi32, #tpu.memory_space<vmem>>
        %dma_start3A_285 = arith.constant 0 : i32
        %dma_start3A_286 = arith.constant 0 : i32
        %dma_start3A_287 = tpu.memref_slice %arg3[%dma_start3A_285, %dma_start3A_286] : memref<1024x256xf32, #tpu.memory_space<hbm>> -> memref<1024x256xf32, #tpu.memory_space<hbm>>
        tpu.enqueue_indirect_dma source(%dma_start3A_287 : memref<1024x256xf32, #tpu.memory_space<hbm>>) target(%dma_start3A_281 : memref<64x256xf32, #tpu.memory_space<vmem>>) offsets(%dma_start3A_284 : memref<64xi32, #tpu.memory_space<vmem>>) semaphore(%arg9 : memref<!tpu.dma_semaphore, #tpu.memory_space<semaphore_mem>>)
      } else {
      }
      %mul3A_220 = arith.constant 4 : i32
      %mul3A_221 = arith.muli %add3A_58, %mul3A_220 : i32
      %add3A_222 = arith.constant 3 : i32
      %add3A_223 = arith.addi %mul3A_221, %add3A_222 : i32
      %dma_wait3A_224 = arith.constant 3 : i32
      %dma_wait3A_225 = arith.constant 0 : i32
      %dma_wait3A_226 = arith.constant 0 : i32
      %dma_wait3A_227 = tpu.memref_slice %arg6[%dma_wait3A_224, %dma_wait3A_225, %dma_wait3A_226] : memref<4x64x256xf32, #tpu.memory_space<vmem>> -> memref<1x64x256xf32, #tpu.memory_space<vmem>>
      %dma_wait3A_228 = tpu.memref_squeeze %dma_wait3A_227 : memref<1x64x256xf32, #tpu.memory_space<vmem>> -> memref<64x256xf32, #tpu.memory_space<vmem>>
      %dma_wait3A_229 = arith.constant 0 : i32
      %dma_wait3A_230 = arith.constant 0 : i32
      %dma_wait3A_231 = tpu.memref_slice %arg3[%dma_wait3A_229, %dma_wait3A_230] : memref<1024x256xf32, #tpu.memory_space<hbm>> -> memref<64x256xf32, #tpu.memory_space<hbm>>
      %dma_wait3A_232 = arith.constant 0 : i32
      %dma_wait3A_233 = arith.constant 0 : i32
      %dma_wait3A_234 = tpu.memref_slice %arg6[%dma_wait3A_224, %dma_wait3A_232, %dma_wait3A_233] : memref<4x64x256xf32, #tpu.memory_space<vmem>> -> memref<1x64x256xf32, #tpu.memory_space<vmem>>
      %dma_wait3A_235 = tpu.memref_squeeze %dma_wait3A_234 : memref<1x64x256xf32, #tpu.memory_space<vmem>> -> memref<64x256xf32, #tpu.memory_space<vmem>>
      %dma_wait3A_236 = arith.constant 0 : i32
      %dma_wait3A_237 = arith.constant 0 : i32
      %dma_wait3A_238 = tpu.memref_slice %arg3[%dma_wait3A_236, %dma_wait3A_237] : memref<1024x256xf32, #tpu.memory_space<hbm>> -> memref<64x256xf32, #tpu.memory_space<hbm>>
      tpu.wait_dma2 semaphore(%arg10 : memref<!tpu.dma_semaphore, #tpu.memory_space<semaphore_mem>>) src(%dma_wait3A_238 : memref<64x256xf32, #tpu.memory_space<hbm>>) dst(%dma_wait3A_235 : memref<64x256xf32, #tpu.memory_space<vmem>>)
      %mul3A_239 = arith.constant 64 : i32
      %mul3A_240 = arith.muli %add3A_223, %mul3A_239 : i32
      %add3A_241 = arith.addi %mul3A_2, %mul3A_240 : i32
      %dma_start3A_242 = arith.constant 3 : i32
      %dma_start3A_243 = arith.constant 0 : i32
      %dma_start3A_244 = arith.constant 0 : i32
      %dma_start3A_245 = tpu.memref_slice %arg6[%dma_start3A_242, %dma_start3A_243, %dma_start3A_244] : memref<4x64x256xf32, #tpu.memory_space<vmem>> -> memref<1x64x256xf32, #tpu.memory_space<vmem>>
      %dma_start3A_246 = tpu.memref_squeeze %dma_start3A_245 : memref<1x64x256xf32, #tpu.memory_space<vmem>> -> memref<64x256xf32, #tpu.memory_space<vmem>>
      %dma_start3A_247 = arith.constant 0 : i32
      %dma_start3A_248 = tpu.memref_slice %arg4[%add3A_241, %dma_start3A_247] : memref<65536x256xf32, #tpu.memory_space<hbm>> -> memref<64x256xf32, #tpu.memory_space<hbm>>
      %dma_start3A_249 = arith.constant 0 : i32
      %dma_start3A_250 = tpu.memref_slice %arg4[%add3A_241, %dma_start3A_249] : memref<65536x256xf32, #tpu.memory_space<hbm>> -> memref<64x256xf32, #tpu.memory_space<hbm>>
      %dma_start3A_251 = arith.constant 0 : i32
      %dma_start3A_252 = arith.constant 0 : i32
      %dma_start3A_253 = tpu.memref_slice %arg6[%dma_start3A_242, %dma_start3A_251, %dma_start3A_252] : memref<4x64x256xf32, #tpu.memory_space<vmem>> -> memref<1x64x256xf32, #tpu.memory_space<vmem>>
      %dma_start3A_254 = tpu.memref_squeeze %dma_start3A_253 : memref<1x64x256xf32, #tpu.memory_space<vmem>> -> memref<64x256xf32, #tpu.memory_space<vmem>>
      tpu.enqueue_dma source(%dma_start3A_254 : memref<64x256xf32, #tpu.memory_space<vmem>>) target(%dma_start3A_250 : memref<64x256xf32, #tpu.memory_space<hbm>>) target_semaphore(%arg14 : memref<!tpu.dma_semaphore, #tpu.memory_space<semaphore_mem>>)
      %dma_wait3A_255 = arith.constant 3 : i32
      %dma_wait3A_256 = arith.constant 0 : i32
      %dma_wait3A_257 = arith.constant 0 : i32
      %dma_wait3A_258 = tpu.memref_slice %arg6[%dma_wait3A_255, %dma_wait3A_256, %dma_wait3A_257] : memref<4x64x256xf32, #tpu.memory_space<vmem>> -> memref<1x64x256xf32, #tpu.memory_space<vmem>>
      %dma_wait3A_259 = tpu.memref_squeeze %dma_wait3A_258 : memref<1x64x256xf32, #tpu.memory_space<vmem>> -> memref<64x256xf32, #tpu.memory_space<vmem>>
      %dma_wait3A_260 = arith.constant 0 : i32
      %dma_wait3A_261 = arith.constant 0 : i32
      %dma_wait3A_262 = tpu.memref_slice %arg4[%dma_wait3A_260, %dma_wait3A_261] : memref<65536x256xf32, #tpu.memory_space<hbm>> -> memref<64x256xf32, #tpu.memory_space<hbm>>
      %dma_wait3A_263 = arith.constant 0 : i32
      %dma_wait3A_264 = arith.constant 0 : i32
      %dma_wait3A_265 = tpu.memref_slice %arg4[%dma_wait3A_263, %dma_wait3A_264] : memref<65536x256xf32, #tpu.memory_space<hbm>> -> memref<64x256xf32, #tpu.memory_space<hbm>>
      %dma_wait3A_266 = arith.constant 0 : i32
      %dma_wait3A_267 = arith.constant 0 : i32
      %dma_wait3A_268 = tpu.memref_slice %arg6[%dma_wait3A_255, %dma_wait3A_266, %dma_wait3A_267] : memref<4x64x256xf32, #tpu.memory_space<vmem>> -> memref<1x64x256xf32, #tpu.memory_space<vmem>>
      %dma_wait3A_269 = tpu.memref_squeeze %dma_wait3A_268 : memref<1x64x256xf32, #tpu.memory_space<vmem>> -> memref<64x256xf32, #tpu.memory_space<vmem>>
      tpu.wait_dma2 semaphore(%arg14 : memref<!tpu.dma_semaphore, #tpu.memory_space<semaphore_mem>>) src(%dma_wait3A_269 : memref<64x256xf32, #tpu.memory_space<vmem>>) dst(%dma_wait3A_265 : memref<64x256xf32, #tpu.memory_space<hbm>>)
      %lt3A_270 = arith.constant 7 : i32
      %lt3A_271 = arith.cmpi slt, %add3A_58, %lt3A_270 : i32
      %convert_element_type3A_272 = arith.extui %lt3A_271 : i1 to i32
      %cond3A_273 = arith.constant 0 : i32
      %cond3A_274 = arith.cmpi ne, %convert_element_type3A_272, %cond3A_273 : i32
      scf.if %cond3A_274 {
        %add3A_275 = arith.constant 4 : i32
        %add3A_276 = arith.addi %add3A_223, %add3A_275 : i32
        %dma_start3A_277 = arith.constant 3 : i32
        %dma_start3A_278 = arith.constant 0 : i32
        %dma_start3A_279 = arith.constant 0 : i32
        %dma_start3A_280 = tpu.memref_slice %arg6[%dma_start3A_277, %dma_start3A_278, %dma_start3A_279] : memref<4x64x256xf32, #tpu.memory_space<vmem>> -> memref<1x64x256xf32, #tpu.memory_space<vmem>>
        %dma_start3A_281 = tpu.memref_squeeze %dma_start3A_280 : memref<1x64x256xf32, #tpu.memory_space<vmem>> -> memref<64x256xf32, #tpu.memory_space<vmem>>
        %dma_start3A_282 = arith.constant 0 : i32
        %dma_start3A_283 = tpu.memref_slice %arg5[%add3A_276, %dma_start3A_282] : memref<32x64xi32, #tpu.memory_space<vmem>> -> memref<1x64xi32, #tpu.memory_space<vmem>>
        %dma_start3A_284 = tpu.memref_squeeze %dma_start3A_283 : memref<1x64xi32, #tpu.memory_space<vmem>> -> memref<64xi32, #tpu.memory_space<vmem>>
        %dma_start3A_285 = arith.constant 0 : i32
        %dma_start3A_286 = arith.constant 0 : i32
        %dma_start3A_287 = tpu.memref_slice %arg3[%dma_start3A_285, %dma_start3A_286] : memref<1024x256xf32, #tpu.memory_space<hbm>> -> memref<1024x256xf32, #tpu.memory_space<hbm>>
        tpu.enqueue_indirect_dma source(%dma_start3A_287 : memref<1024x256xf32, #tpu.memory_space<hbm>>) target(%dma_start3A_281 : memref<64x256xf32, #tpu.memory_space<vmem>>) offsets(%dma_start3A_284 : memref<64xi32, #tpu.memory_space<vmem>>) semaphore(%arg10 : memref<!tpu.dma_semaphore, #tpu.memory_space<semaphore_mem>>)
      } else {
      }
    }
    %scan3A_53 = arith.constant 8 : i32
    return
  }
}

module attributes {stable_mosaic.version = 14 : i64} {
  func.func @_prep_body(%arg0: i32, %arg1: memref<1x1x21xf32, #tpu.memory_space<smem>>, %arg2: memref<1x2xf32, #tpu.memory_space<smem>>, %arg3: memref<1x1x16384xf32, #tpu.memory_space<vmem>>, %arg4: memref<1x1x16384xf32, #tpu.memory_space<vmem>>, %arg5: memref<1x1x16384xf32, #tpu.memory_space<vmem>>, %arg6: memref<1x2x256x384xf32, #tpu.memory_space<vmem>>, %arg7: memref<384x256xf32, #tpu.memory_space<vmem>>, %arg8: memref<1x1x16384xi32, #tpu.memory_space<vmem>>, %arg9: memref<1x256x256xf32, #tpu.memory_space<vmem>>) attributes {dimension_semantics = [#tpu.dimension_semantics<arbitrary>], iteration_bounds = array<i64: 4>, scalar_prefetch = 0 : i64, scratch_operands = 0 : i64, tpu.core_type = #tpu.core_type<tc>, window_params = [{transform_indices = @transform_0, window_bounds = array<i64: 1, 1, 21>}, {transform_indices = @transform_1, window_bounds = array<i64: 1, 2>}, {transform_indices = @transform_2, window_bounds = array<i64: 1, 1, 16384>}, {transform_indices = @transform_3, window_bounds = array<i64: 1, 1, 16384>}, {transform_indices = @transform_4, window_bounds = array<i64: 1, 1, 16384>}, {transform_indices = @transform_5, window_bounds = array<i64: 1, 2, 256, 384>}, {pipeline_mode = #tpu.pipeline_mode<synchronous>, transform_indices = @transform_6, window_bounds = array<i64: 384, 256>}, {transform_indices = @transform_7, window_bounds = array<i64: 1, 1, 16384>}, {transform_indices = @transform_8, window_bounds = array<i64: 1, 256, 256>}]} {
    %get3A = arith.constant 0 : index
    %get3A_0 = arith.constant 0 : index
    %get3A_1 = arith.constant 0 : index
    %get3A_2 = vector.load %arg3[%get3A, %get3A_0, %get3A_1] : memref<1x1x16384xf32, #tpu.memory_space<vmem>>, vector<1x1x16384xf32>
    %get3A_3 = vector.shape_cast %get3A_2 : vector<1x1x16384xf32> to vector<1x16384xf32>
    %get3A_4 = arith.constant 0 : index
    %get3A_5 = arith.constant 0 : index
    %get3A_6 = arith.constant 0 : index
    %get3A_7 = vector.load %arg4[%get3A_4, %get3A_5, %get3A_6] : memref<1x1x16384xf32, #tpu.memory_space<vmem>>, vector<1x1x16384xf32>
    %get3A_8 = vector.shape_cast %get3A_7 : vector<1x1x16384xf32> to vector<1x16384xf32>
    %get3A_9 = arith.constant 0 : index
    %get3A_10 = arith.constant 0 : index
    %get3A_11 = arith.constant 0 : index
    %get3A_12 = vector.load %arg5[%get3A_9, %get3A_10, %get3A_11] : memref<1x1x16384xf32, #tpu.memory_space<vmem>>, vector<1x1x16384xf32>
    %get3A_13 = vector.shape_cast %get3A_12 : vector<1x1x16384xf32> to vector<1x16384xf32>
    %get3A_14 = arith.constant 0 : index
    %get3A_15 = arith.constant 0 : index
    %get3A_16 = arith.constant 0 : index
    %get3A_17 = memref.load %arg1[%get3A_14, %get3A_15, %get3A_16] : memref<1x1x21xf32, #tpu.memory_space<smem>>
    %get3A_18 = arith.constant 0 : index
    %get3A_19 = arith.constant 0 : index
    %get3A_20 = arith.constant 1 : index
    %get3A_21 = memref.load %arg1[%get3A_18, %get3A_19, %get3A_20] : memref<1x1x21xf32, #tpu.memory_space<smem>>
    %get3A_22 = arith.constant 0 : index
    %get3A_23 = arith.constant 0 : index
    %get3A_24 = arith.constant 2 : index
    %get3A_25 = memref.load %arg1[%get3A_22, %get3A_23, %get3A_24] : memref<1x1x21xf32, #tpu.memory_space<smem>>
    %get3A_26 = arith.constant 0 : index
    %get3A_27 = arith.constant 0 : index
    %get3A_28 = arith.constant 3 : index
    %get3A_29 = memref.load %arg1[%get3A_26, %get3A_27, %get3A_28] : memref<1x1x21xf32, #tpu.memory_space<smem>>
    %get3A_30 = arith.constant 0 : index
    %get3A_31 = arith.constant 0 : index
    %get3A_32 = arith.constant 4 : index
    %get3A_33 = memref.load %arg1[%get3A_30, %get3A_31, %get3A_32] : memref<1x1x21xf32, #tpu.memory_space<smem>>
    %get3A_34 = arith.constant 0 : index
    %get3A_35 = arith.constant 0 : index
    %get3A_36 = arith.constant 5 : index
    %get3A_37 = memref.load %arg1[%get3A_34, %get3A_35, %get3A_36] : memref<1x1x21xf32, #tpu.memory_space<smem>>
    %get3A_38 = arith.constant 0 : index
    %get3A_39 = arith.constant 0 : index
    %get3A_40 = arith.constant 6 : index
    %get3A_41 = memref.load %arg1[%get3A_38, %get3A_39, %get3A_40] : memref<1x1x21xf32, #tpu.memory_space<smem>>
    %get3A_42 = arith.constant 0 : index
    %get3A_43 = arith.constant 0 : index
    %get3A_44 = arith.constant 7 : index
    %get3A_45 = memref.load %arg1[%get3A_42, %get3A_43, %get3A_44] : memref<1x1x21xf32, #tpu.memory_space<smem>>
    %get3A_46 = arith.constant 0 : index
    %get3A_47 = arith.constant 0 : index
    %get3A_48 = arith.constant 8 : index
    %get3A_49 = memref.load %arg1[%get3A_46, %get3A_47, %get3A_48] : memref<1x1x21xf32, #tpu.memory_space<smem>>
    %get3A_50 = arith.constant 0 : index
    %get3A_51 = arith.constant 0 : index
    %get3A_52 = arith.constant 9 : index
    %get3A_53 = memref.load %arg1[%get3A_50, %get3A_51, %get3A_52] : memref<1x1x21xf32, #tpu.memory_space<smem>>
    %get3A_54 = arith.constant 0 : index
    %get3A_55 = arith.constant 0 : index
    %get3A_56 = arith.constant 10 : index
    %get3A_57 = memref.load %arg1[%get3A_54, %get3A_55, %get3A_56] : memref<1x1x21xf32, #tpu.memory_space<smem>>
    %get3A_58 = arith.constant 0 : index
    %get3A_59 = arith.constant 0 : index
    %get3A_60 = arith.constant 11 : index
    %get3A_61 = memref.load %arg1[%get3A_58, %get3A_59, %get3A_60] : memref<1x1x21xf32, #tpu.memory_space<smem>>
    %get3A_62 = arith.constant 0 : index
    %get3A_63 = arith.constant 0 : index
    %get3A_64 = arith.constant 12 : index
    %get3A_65 = memref.load %arg1[%get3A_62, %get3A_63, %get3A_64] : memref<1x1x21xf32, #tpu.memory_space<smem>>
    %get3A_66 = arith.constant 0 : index
    %get3A_67 = arith.constant 0 : index
    %get3A_68 = arith.constant 13 : index
    %get3A_69 = memref.load %arg1[%get3A_66, %get3A_67, %get3A_68] : memref<1x1x21xf32, #tpu.memory_space<smem>>
    %get3A_70 = arith.constant 0 : index
    %get3A_71 = arith.constant 0 : index
    %get3A_72 = arith.constant 14 : index
    %get3A_73 = memref.load %arg1[%get3A_70, %get3A_71, %get3A_72] : memref<1x1x21xf32, #tpu.memory_space<smem>>
    %get3A_74 = arith.constant 0 : index
    %get3A_75 = arith.constant 0 : index
    %get3A_76 = arith.constant 15 : index
    %get3A_77 = memref.load %arg1[%get3A_74, %get3A_75, %get3A_76] : memref<1x1x21xf32, #tpu.memory_space<smem>>
    %get3A_78 = arith.constant 0 : index
    %get3A_79 = arith.constant 0 : index
    %get3A_80 = arith.constant 16 : index
    %get3A_81 = memref.load %arg1[%get3A_78, %get3A_79, %get3A_80] : memref<1x1x21xf32, #tpu.memory_space<smem>>
    %get3A_82 = arith.constant 0 : index
    %get3A_83 = arith.constant 0 : index
    %get3A_84 = arith.constant 17 : index
    %get3A_85 = memref.load %arg1[%get3A_82, %get3A_83, %get3A_84] : memref<1x1x21xf32, #tpu.memory_space<smem>>
    %get3A_86 = arith.constant 0 : index
    %get3A_87 = arith.constant 0 : index
    %get3A_88 = arith.constant 18 : index
    %get3A_89 = memref.load %arg1[%get3A_86, %get3A_87, %get3A_88] : memref<1x1x21xf32, #tpu.memory_space<smem>>
    %get3A_90 = arith.constant 0 : index
    %get3A_91 = arith.constant 0 : index
    %get3A_92 = arith.constant 19 : index
    %get3A_93 = memref.load %arg1[%get3A_90, %get3A_91, %get3A_92] : memref<1x1x21xf32, #tpu.memory_space<smem>>
    %get3A_94 = arith.constant 0 : index
    %get3A_95 = arith.constant 0 : index
    %get3A_96 = arith.constant 20 : index
    %get3A_97 = memref.load %arg1[%get3A_94, %get3A_95, %get3A_96] : memref<1x1x21xf32, #tpu.memory_space<smem>>
    %mul3A = vector.broadcast %get3A_17 : f32 to vector<1x16384xf32>
    %mul3A_98 = arith.mulf %mul3A, %get3A_3 : vector<1x16384xf32>
    %mul3A_99 = vector.broadcast %get3A_21 : f32 to vector<1x16384xf32>
    %mul3A_100 = arith.mulf %mul3A_99, %get3A_8 : vector<1x16384xf32>
    %add3A = arith.addf %mul3A_98, %mul3A_100 : vector<1x16384xf32>
    %mul3A_101 = vector.broadcast %get3A_25 : f32 to vector<1x16384xf32>
    %mul3A_102 = arith.mulf %mul3A_101, %get3A_13 : vector<1x16384xf32>
    %add3A_103 = arith.addf %add3A, %mul3A_102 : vector<1x16384xf32>
    %add3A_104 = vector.broadcast %get3A_29 : f32 to vector<1x16384xf32>
    %add3A_105 = arith.addf %add3A_103, %add3A_104 : vector<1x16384xf32>
    %mul3A_106 = vector.broadcast %get3A_33 : f32 to vector<1x16384xf32>
    %mul3A_107 = arith.mulf %mul3A_106, %get3A_3 : vector<1x16384xf32>
    %mul3A_108 = vector.broadcast %get3A_37 : f32 to vector<1x16384xf32>
    %mul3A_109 = arith.mulf %mul3A_108, %get3A_8 : vector<1x16384xf32>
    %add3A_110 = arith.addf %mul3A_107, %mul3A_109 : vector<1x16384xf32>
    %mul3A_111 = vector.broadcast %get3A_41 : f32 to vector<1x16384xf32>
    %mul3A_112 = arith.mulf %mul3A_111, %get3A_13 : vector<1x16384xf32>
    %add3A_113 = arith.addf %add3A_110, %mul3A_112 : vector<1x16384xf32>
    %add3A_114 = vector.broadcast %get3A_45 : f32 to vector<1x16384xf32>
    %add3A_115 = arith.addf %add3A_113, %add3A_114 : vector<1x16384xf32>
    %mul3A_116 = vector.broadcast %get3A_49 : f32 to vector<1x16384xf32>
    %mul3A_117 = arith.mulf %mul3A_116, %get3A_3 : vector<1x16384xf32>
    %mul3A_118 = vector.broadcast %get3A_53 : f32 to vector<1x16384xf32>
    %mul3A_119 = arith.mulf %mul3A_118, %get3A_8 : vector<1x16384xf32>
    %add3A_120 = arith.addf %mul3A_117, %mul3A_119 : vector<1x16384xf32>
    %mul3A_121 = vector.broadcast %get3A_57 : f32 to vector<1x16384xf32>
    %mul3A_122 = arith.mulf %mul3A_121, %get3A_13 : vector<1x16384xf32>
    %add3A_123 = arith.addf %add3A_120, %mul3A_122 : vector<1x16384xf32>
    %add3A_124 = vector.broadcast %get3A_61 : f32 to vector<1x16384xf32>
    %add3A_125 = arith.addf %add3A_123, %add3A_124 : vector<1x16384xf32>
    %convert_element_type3A = arith.truncf %add3A_105 : vector<1x16384xf32> to vector<1x16384xbf16>
    %convert_element_type3A_126 = arith.extf %convert_element_type3A : vector<1x16384xbf16> to vector<1x16384xf32>
    %convert_element_type3A_127 = arith.truncf %add3A_115 : vector<1x16384xf32> to vector<1x16384xbf16>
    %convert_element_type3A_128 = arith.extf %convert_element_type3A_127 : vector<1x16384xbf16> to vector<1x16384xf32>
    %convert_element_type3A_129 = arith.truncf %add3A_125 : vector<1x16384xf32> to vector<1x16384xbf16>
    %convert_element_type3A_130 = arith.extf %convert_element_type3A_129 : vector<1x16384xbf16> to vector<1x16384xf32>
    %mul3A_131 = vector.broadcast %get3A_65 : f32 to vector<1x16384xf32>
    %mul3A_132 = arith.mulf %mul3A_131, %convert_element_type3A_126 : vector<1x16384xf32>
    %mul3A_133 = vector.broadcast %get3A_69 : f32 to vector<1x16384xf32>
    %mul3A_134 = arith.mulf %mul3A_133, %convert_element_type3A_128 : vector<1x16384xf32>
    %add3A_135 = arith.addf %mul3A_132, %mul3A_134 : vector<1x16384xf32>
    %mul3A_136 = vector.broadcast %get3A_73 : f32 to vector<1x16384xf32>
    %mul3A_137 = arith.mulf %mul3A_136, %convert_element_type3A_130 : vector<1x16384xf32>
    %add3A_138 = arith.addf %add3A_135, %mul3A_137 : vector<1x16384xf32>
    %mul3A_139 = vector.broadcast %get3A_77 : f32 to vector<1x16384xf32>
    %mul3A_140 = arith.mulf %mul3A_139, %convert_element_type3A_126 : vector<1x16384xf32>
    %mul3A_141 = vector.broadcast %get3A_81 : f32 to vector<1x16384xf32>
    %mul3A_142 = arith.mulf %mul3A_141, %convert_element_type3A_128 : vector<1x16384xf32>
    %add3A_143 = arith.addf %mul3A_140, %mul3A_142 : vector<1x16384xf32>
    %mul3A_144 = vector.broadcast %get3A_85 : f32 to vector<1x16384xf32>
    %mul3A_145 = arith.mulf %mul3A_144, %convert_element_type3A_130 : vector<1x16384xf32>
    %add3A_146 = arith.addf %add3A_143, %mul3A_145 : vector<1x16384xf32>
    %mul3A_147 = vector.broadcast %get3A_89 : f32 to vector<1x16384xf32>
    %mul3A_148 = arith.mulf %mul3A_147, %convert_element_type3A_126 : vector<1x16384xf32>
    %mul3A_149 = vector.broadcast %get3A_93 : f32 to vector<1x16384xf32>
    %mul3A_150 = arith.mulf %mul3A_149, %convert_element_type3A_128 : vector<1x16384xf32>
    %add3A_151 = arith.addf %mul3A_148, %mul3A_150 : vector<1x16384xf32>
    %mul3A_152 = vector.broadcast %get3A_97 : f32 to vector<1x16384xf32>
    %mul3A_153 = arith.mulf %mul3A_152, %convert_element_type3A_130 : vector<1x16384xf32>
    %add3A_154 = arith.addf %add3A_151, %mul3A_153 : vector<1x16384xf32>
    %add3A_155 = arith.constant 9.99999997E-7 : f32
    %add3A_156 = vector.broadcast %add3A_155 : f32 to vector<1x16384xf32>
    %add3A_157 = arith.addf %add3A_154, %add3A_156 : vector<1x16384xf32>
    %div3A = arith.divf %add3A_138, %add3A_157 : vector<1x16384xf32>
    %get3A_158 = arith.constant 0 : index
    %get3A_159 = arith.constant 0 : index
    %get3A_160 = memref.load %arg2[%get3A_158, %get3A_159] : memref<1x2xf32, #tpu.memory_space<smem>>
    %mul3A_161 = vector.broadcast %get3A_160 : f32 to vector<1x16384xf32>
    %mul3A_162 = arith.mulf %div3A, %mul3A_161 : vector<1x16384xf32>
    %div3A_163 = arith.divf %add3A_146, %add3A_157 : vector<1x16384xf32>
    %get3A_164 = arith.constant 0 : index
    %get3A_165 = arith.constant 1 : index
    %get3A_166 = memref.load %arg2[%get3A_164, %get3A_165] : memref<1x2xf32, #tpu.memory_space<smem>>
    %mul3A_167 = vector.broadcast %get3A_166 : f32 to vector<1x16384xf32>
    %mul3A_168 = arith.mulf %div3A_163, %mul3A_167 : vector<1x16384xf32>
    %div3A_169 = arith.constant 1.400000e+01 : f32
    %div3A_170 = vector.broadcast %div3A_169 : f32 to vector<1x16384xf32>
    %div3A_171 = arith.divf %mul3A_162, %div3A_170 : vector<1x16384xf32>
    %convert_element_type3A_172 = arith.fptosi %div3A_171 : vector<1x16384xf32> to vector<1x16384xi32>
    %jit3A = arith.constant 0 : i32
    %jit3A_173 = arith.constant 15 : i32
    %max3A = vector.broadcast %jit3A : i32 to vector<1x16384xi32>
    %max3A_174 = arith.maxsi %max3A, %convert_element_type3A_172 : vector<1x16384xi32>
    %min3A = vector.broadcast %jit3A_173 : i32 to vector<1x16384xi32>
    %min3A_175 = arith.minsi %min3A, %max3A_174 : vector<1x16384xi32>
    %div3A_176 = arith.constant 1.400000e+01 : f32
    %div3A_177 = vector.broadcast %div3A_176 : f32 to vector<1x16384xf32>
    %div3A_178 = arith.divf %mul3A_168, %div3A_177 : vector<1x16384xf32>
    %convert_element_type3A_179 = arith.fptosi %div3A_178 : vector<1x16384xf32> to vector<1x16384xi32>
    %jit3A_180 = arith.constant 0 : i32
    %jit3A_181 = arith.constant 15 : i32
    %max3A_182 = vector.broadcast %jit3A_180 : i32 to vector<1x16384xi32>
    %max3A_183 = arith.maxsi %max3A_182, %convert_element_type3A_179 : vector<1x16384xi32>
    %min3A_184 = vector.broadcast %jit3A_181 : i32 to vector<1x16384xi32>
    %min3A_185 = arith.minsi %min3A_184, %max3A_183 : vector<1x16384xi32>
    %mul3A_186 = arith.constant 16 : i32
    %mul3A_187 = vector.broadcast %mul3A_186 : i32 to vector<1x16384xi32>
    %mul3A_188 = arith.muli %min3A_175, %mul3A_187 : vector<1x16384xi32>
    %add3A_189 = arith.addi %mul3A_188, %min3A_185 : vector<1x16384xi32>
    %mul3A_190 = arith.constant 256 : i32
    %mul3A_191 = arith.muli %arg0, %mul3A_190 : i32
    %add3A_192 = vector.broadcast %mul3A_191 : i32 to vector<1x16384xi32>
    %add3A_193 = arith.addi %add3A_189, %add3A_192 : vector<1x16384xi32>
    %swap3A = arith.constant 0 : index
    %swap3A_194 = arith.constant 0 : index
    %swap3A_195 = arith.constant 0 : index
    %swap3A_196 = vector.load %arg8[%swap3A, %swap3A_194, %swap3A_195] : memref<1x1x16384xi32, #tpu.memory_space<vmem>>, vector<1x1x16384xi32>
    %swap3A_197 = vector.shape_cast %swap3A_196 : vector<1x1x16384xi32> to vector<1x16384xi32>
    %swap3A_198 = vector.shape_cast %add3A_193 : vector<1x16384xi32> to vector<1x1x16384xi32>
    tpu.vector_store %arg8[%swap3A, %swap3A_194, %swap3A_195], %swap3A_198 {strides = array<i32>} : memref<1x1x16384xi32, #tpu.memory_space<vmem>>, vector<1x1x16384xi32>,
    %get3A_199 = arith.constant 0 : index
    %get3A_200 = arith.constant 0 : index
    %get3A_201 = arith.constant 0 : index
    %get3A_202 = arith.constant 0 : index
    %get3A_203 = vector.load %arg6[%get3A_199, %get3A_200, %get3A_201, %get3A_202] : memref<1x2x256x384xf32, #tpu.memory_space<vmem>>, vector<1x1x256x384xf32>
    %get3A_204 = vector.shape_cast %get3A_203 : vector<1x1x256x384xf32> to vector<256x384xf32>
    %get3A_205 = arith.constant 0 : index
    %get3A_206 = arith.constant 1 : index
    %get3A_207 = arith.constant 0 : index
    %get3A_208 = arith.constant 0 : index
    %get3A_209 = vector.load %arg6[%get3A_205, %get3A_206, %get3A_207, %get3A_208] : memref<1x2x256x384xf32, #tpu.memory_space<vmem>>, vector<1x1x256x384xf32>
    %get3A_210 = vector.shape_cast %get3A_209 : vector<1x1x256x384xf32> to vector<256x384xf32>
    %add3A_211 = arith.addf %get3A_204, %get3A_210 : vector<256x384xf32>
    %mul3A_212 = arith.constant 5.000000e-01 : f32
    %mul3A_213 = vector.broadcast %mul3A_212 : f32 to vector<256x384xf32>
    %mul3A_214 = arith.mulf %add3A_211, %mul3A_213 : vector<256x384xf32>
    %get3A_215 = arith.constant 0 : index
    %get3A_216 = arith.constant 0 : index
    %get3A_217 = vector.load %arg7[%get3A_215, %get3A_216] : memref<384x256xf32, #tpu.memory_space<vmem>>, vector<384x256xf32>
    %dot_general3A = arith.constant dense<0.000000e+00> : vector<256x256xf32>
    %dot_general3A_218 = tpu.matmul %mul3A_214, %get3A_217, %dot_general3A {dimension_numbers = #tpu.dot_dimension_numbers<[1], [0], [0], [1], [0, 0, 1, 1], [], []>, transpose_lhs_hint = false} : vector<256x384xf32>, vector<384x256xf32>, vector<256x256xf32> -> vector<256x256xf32>
    %swap3A_219 = arith.constant 0 : index
    %swap3A_220 = arith.constant 0 : index
    %swap3A_221 = arith.constant 0 : index
    %swap3A_222 = vector.load %arg9[%swap3A_219, %swap3A_220, %swap3A_221] : memref<1x256x256xf32, #tpu.memory_space<vmem>>, vector<1x256x256xf32>
    %swap3A_223 = vector.shape_cast %swap3A_222 : vector<1x256x256xf32> to vector<256x256xf32>
    %swap3A_224 = vector.shape_cast %dot_general3A_218 : vector<256x256xf32> to vector<1x256x256xf32>
    tpu.vector_store %arg9[%swap3A_219, %swap3A_220, %swap3A_221], %swap3A_224 {strides = array<i32>} : memref<1x256x256xf32, #tpu.memory_space<vmem>>, vector<1x256x256xf32>,
    return
  }
  func.func @transform_0(%arg0: i32) -> (i32, i32, i32) {
    %c0_i32 = arith.constant 0 : i32
    %c0_i32_0 = arith.constant 0 : i32
    %c0_i32_1 = arith.constant 0 : i32
    return %arg0, %c0_i32, %c0_i32_0 : i32, i32, i32
  }
  func.func @transform_1(%arg0: i32) -> (i32, i32) {
    %c0_i32 = arith.constant 0 : i32
    %c0_i32_0 = arith.constant 0 : i32
    %c0_i32_1 = arith.constant 0 : i32
    return %c0_i32, %c0_i32_0 : i32, i32
  }
  func.func @transform_2(%arg0: i32) -> (i32, i32, i32) {
    %c0_i32 = arith.constant 0 : i32
    %c0_i32_0 = arith.constant 0 : i32
    %c0_i32_1 = arith.constant 0 : i32
    return %arg0, %c0_i32, %c0_i32_0 : i32, i32, i32
  }
  func.func @transform_3(%arg0: i32) -> (i32, i32, i32) {
    %c0_i32 = arith.constant 0 : i32
    %c0_i32_0 = arith.constant 0 : i32
    %c0_i32_1 = arith.constant 0 : i32
    return %arg0, %c0_i32, %c0_i32_0 : i32, i32, i32
  }
  func.func @transform_4(%arg0: i32) -> (i32, i32, i32) {
    %c0_i32 = arith.constant 0 : i32
    %c0_i32_0 = arith.constant 0 : i32
    %c0_i32_1 = arith.constant 0 : i32
    return %arg0, %c0_i32, %c0_i32_0 : i32, i32, i32
  }
  func.func @transform_5(%arg0: i32) -> (i32, i32, i32, i32) {
    %c0_i32 = arith.constant 0 : i32
    %c0_i32_0 = arith.constant 0 : i32
    %c0_i32_1 = arith.constant 0 : i32
    %c0_i32_2 = arith.constant 0 : i32
    return %arg0, %c0_i32, %c0_i32_0, %c0_i32_1 : i32, i32, i32, i32
  }
  func.func @transform_6(%arg0: i32) -> (i32, i32) {
    %c0_i32 = arith.constant 0 : i32
    %c0_i32_0 = arith.constant 0 : i32
    %c0_i32_1 = arith.constant 0 : i32
    return %c0_i32, %c0_i32_0 : i32, i32
  }
  func.func @transform_7(%arg0: i32) -> (i32, i32, i32) {
    %c0_i32 = arith.constant 0 : i32
    %c0_i32_0 = arith.constant 0 : i32
    %c0_i32_1 = arith.constant 0 : i32
    return %arg0, %c0_i32, %c0_i32_0 : i32, i32, i32
  }
  func.func @transform_8(%arg0: i32) -> (i32, i32, i32) {
    %c0_i32 = arith.constant 0 : i32
    %c0_i32_0 = arith.constant 0 : i32
    %c0_i32_1 = arith.constant 0 : i32
    return %arg0, %c0_i32, %c0_i32_0 : i32, i32, i32
  }
}

module attributes {stable_mosaic.version = 14 : i64} {
  func.func @_mlp_body(%arg0: i32, %arg1: memref<2048x64xf32, #tpu.memory_space<vmem>>, %arg2: memref<2048x256xf32, #tpu.memory_space<vmem>>, %arg3: memref<64x256xf32, #tpu.memory_space<vmem>>, %arg4: memref<1x256xf32, #tpu.memory_space<vmem>>, %arg5: memref<256x16xf32, #tpu.memory_space<vmem>>, %arg6: memref<1x16xf32, #tpu.memory_space<vmem>>, %arg7: memref<2048x16xf32, #tpu.memory_space<vmem>>) attributes {dimension_semantics = [#tpu.dimension_semantics<arbitrary>], iteration_bounds = array<i64: 32>, scalar_prefetch = 0 : i64, scratch_operands = 0 : i64, tpu.core_type = #tpu.core_type<tc>, window_params = [{transform_indices = @transform_0, window_bounds = array<i64: 2048, 64>}, {transform_indices = @transform_1, window_bounds = array<i64: 2048, 256>}, {pipeline_mode = #tpu.pipeline_mode<synchronous>, transform_indices = @transform_2, window_bounds = array<i64: 64, 256>}, {pipeline_mode = #tpu.pipeline_mode<synchronous>, transform_indices = @transform_3, window_bounds = array<i64: 1, 256>}, {pipeline_mode = #tpu.pipeline_mode<synchronous>, transform_indices = @transform_4, window_bounds = array<i64: 256, 16>}, {pipeline_mode = #tpu.pipeline_mode<synchronous>, transform_indices = @transform_5, window_bounds = array<i64: 1, 16>}, {transform_indices = @transform_6, window_bounds = array<i64: 2048, 16>}]} {
    %get3A = arith.constant 0 : index
    %get3A_0 = arith.constant 0 : index
    %get3A_1 = vector.load %arg1[%get3A, %get3A_0] : memref<2048x64xf32, #tpu.memory_space<vmem>>, vector<2048x64xf32>
    %get3A_2 = arith.constant 0 : index
    %get3A_3 = arith.constant 0 : index
    %get3A_4 = vector.load %arg3[%get3A_2, %get3A_3] : memref<64x256xf32, #tpu.memory_space<vmem>>, vector<64x256xf32>
    %dot_general3A = arith.constant dense<0.000000e+00> : vector<2048x256xf32>
    %dot_general3A_5 = tpu.matmul %get3A_1, %get3A_4, %dot_general3A {dimension_numbers = #tpu.dot_dimension_numbers<[1], [0], [0], [1], [0, 0, 1, 1], [], []>, transpose_lhs_hint = false} : vector<2048x64xf32>, vector<64x256xf32>, vector<2048x256xf32> -> vector<2048x256xf32>
    %get3A_6 = arith.constant 0 : index
    %get3A_7 = arith.constant 0 : index
    %get3A_8 = vector.load %arg2[%get3A_6, %get3A_7] : memref<2048x256xf32, #tpu.memory_space<vmem>>, vector<2048x256xf32>
    %add3A = arith.addf %dot_general3A_5, %get3A_8 : vector<2048x256xf32>
    %get3A_9 = arith.constant 0 : index
    %get3A_10 = arith.constant 0 : index
    %get3A_11 = vector.load %arg4[%get3A_9, %get3A_10] : memref<1x256xf32, #tpu.memory_space<vmem>>, vector<1x256xf32>
    %add3A_12 = vector.broadcast %get3A_11 : vector<1x256xf32> to vector<2048x256xf32>
    %add3A_13 = arith.addf %add3A, %add3A_12 : vector<2048x256xf32>
    %max3A = arith.constant 0.000000e+00 : f32
    %max3A_14 = vector.broadcast %max3A : f32 to vector<2048x256xf32>
    %max3A_15 = arith.maximumf %add3A_13, %max3A_14 : vector<2048x256xf32>
    %get3A_16 = arith.constant 0 : index
    %get3A_17 = arith.constant 0 : index
    %get3A_18 = vector.load %arg5[%get3A_16, %get3A_17] : memref<256x16xf32, #tpu.memory_space<vmem>>, vector<256x16xf32>
    %dot_general3A_19 = arith.constant dense<0.000000e+00> : vector<2048x16xf32>
    %dot_general3A_20 = tpu.matmul %max3A_15, %get3A_18, %dot_general3A_19 {dimension_numbers = #tpu.dot_dimension_numbers<[1], [0], [0], [1], [0, 0, 1, 1], [], []>, transpose_lhs_hint = false} : vector<2048x256xf32>, vector<256x16xf32>, vector<2048x16xf32> -> vector<2048x16xf32>
    %get3A_21 = arith.constant 0 : index
    %get3A_22 = arith.constant 0 : index
    %get3A_23 = vector.load %arg6[%get3A_21, %get3A_22] : memref<1x16xf32, #tpu.memory_space<vmem>>, vector<1x16xf32>
    %add3A_24 = vector.broadcast %get3A_23 : vector<1x16xf32> to vector<2048x16xf32>
    %add3A_25 = arith.addf %dot_general3A_20, %add3A_24 : vector<2048x16xf32>
    %swap3A = arith.constant 0 : index
    %swap3A_26 = arith.constant 0 : index
    %swap3A_27 = vector.load %arg7[%swap3A, %swap3A_26] : memref<2048x16xf32, #tpu.memory_space<vmem>>, vector<2048x16xf32>
    tpu.vector_store %arg7[%swap3A, %swap3A_26], %add3A_25 {strides = array<i32>} : memref<2048x16xf32, #tpu.memory_space<vmem>>, vector<2048x16xf32>,
    return
  }
  func.func @transform_0(%arg0: i32) -> (i32, i32) {
    %c0_i32 = arith.constant 0 : i32
    %c0_i32_0 = arith.constant 0 : i32
    return %arg0, %c0_i32 : i32, i32
  }
  func.func @transform_1(%arg0: i32) -> (i32, i32) {
    %c0_i32 = arith.constant 0 : i32
    %c0_i32_0 = arith.constant 0 : i32
    return %arg0, %c0_i32 : i32, i32
  }
  func.func @transform_2(%arg0: i32) -> (i32, i32) {
    %c0_i32 = arith.constant 0 : i32
    %c0_i32_0 = arith.constant 0 : i32
    %c0_i32_1 = arith.constant 0 : i32
    return %c0_i32, %c0_i32_0 : i32, i32
  }
  func.func @transform_3(%arg0: i32) -> (i32, i32) {
    %c0_i32 = arith.constant 0 : i32
    %c0_i32_0 = arith.constant 0 : i32
    %c0_i32_1 = arith.constant 0 : i32
    return %c0_i32, %c0_i32_0 : i32, i32
  }
  func.func @transform_4(%arg0: i32) -> (i32, i32) {
    %c0_i32 = arith.constant 0 : i32
    %c0_i32_0 = arith.constant 0 : i32
    %c0_i32_1 = arith.constant 0 : i32
    return %c0_i32, %c0_i32_0 : i32, i32
  }
  func.func @transform_5(%arg0: i32) -> (i32, i32) {
    %c0_i32 = arith.constant 0 : i32
    %c0_i32_0 = arith.constant 0 : i32
    %c0_i32_1 = arith.constant 0 : i32
    return %c0_i32, %c0_i32_0 : i32, i32
  }
  func.func @transform_6(%arg0: i32) -> (i32, i32) {
    %c0_i32 = arith.constant 0 : i32
    %c0_i32_0 = arith.constant 0 : i32
    return %arg0, %c0_i32 : i32, i32
  }
}

</mosaic_0001>

<sc_bundles>
// kernel: kernel.5.cloned.1.call-start
scs
__scs_entry_jumppad:
0x0: {  	(pc) =	sbr.rel $0x88, $3  }
0x1: {  	(tag) =	ssettag $0x0;
	lr =	simm.s32 $0x1  }
0x2: {  	[smem:$0x3F97] =	sst lr;
	_ =	strace $0xD0000000  }
0x3: {  	_ = 	snop  }
0x4: {  	_ = 	snop  }
0x5: {  	_ = 	snop  }
0x6: {  	_ = 	snop  }
0x7: {  	_ = 	snop  }
__scs_overlays_trampoline_lowered:
0x8: {  	[smem:$0x3FA6] =	sst s0  }
0x9: {  	[smem:$0x3FA7] =	sst s1  }
0xa: {  	[smem:$0x3FA8] =	sst s2  }
0xb: {  	[smem:$0x3FA9] =	sst s3  }
0xc: {  	[smem:$0x3FAA] =	sst s4  }
0xd: {  	[smem:$0x3FAB] =	sst s5  }
0xe: {  	[smem:$0x3FAC] =	sst s6  }
0xf: {  	[smem:$0x3FAD] =	sst s7  }
0x10: {  	[smem:$0x3FAE] =	sst s8  }
0x11: {  	[smem:$0x3FAF] =	sst s9;
	s0 =	simm.s32 @!p0 $0x0  }
0x12: {  	s1 =	sld [smem:$0x3F95];
	s0 =	simm.s32 @p0 $0x1  }
0x13: {  	[smem:$0x3FB0] =	sst s0;
	s0 =	simm.s32 @!p1 $0x0  }
0x14: {  	s2 =	sld [smem:$0x3F94];
	s0 =	simm.s32 @p1 $0x1  }
0x15: {  	[smem:$0x3FB1] =	sst s0;
	s0 =	simm.s32 @!p2 $0x0  }
0x16: {  	s3 =	sld [smem:$0x3FDB];
	s0 =	simm.s32 @p2 $0x1  }
0x17: {  	s4 =	simm.s32 $0x1BF5;
	[smem:$0x3FB3] =	sst s0  }
0x18: {  	s0 =	sld [smem:$0x3F96];
	_ =	swait.ge [sflag:s4], $0x0  }
0x19: {  	s7 =	sld [smem:$0x3F97]  }
0x1a: {  	s8 =	sadd.s32 $0xFFFFE003, lr  }
0x1b: {  	s9 =	sadd.s32 $0xFFFFFEF7, lr;
	s5 =	simm.s32 $0xFFFFFFFF;
	p2 =	slt.u32 s8, $0xFFFFF086  }
0x1c: {  	p1 =	slt.u32 s9, $0xF7A;
	s5 =	simm.s32 @!p2 $0x0  }
0x1d: {  	s5 =	simm.s32 @p1 $0x1;
	p0 =	seq.s32 s7, s2  }
0x1e: {  	s7 =	smul.u32 @!p0 $0xF7A, s2;
	p2 =	seq.s32 @!p0 s5, $0x0  }
0x1f: {  	s9 =	smul.u32 $0xF7A, s1;
	s8 =	simm.s32 @!p0 $0x1BF5;
	p2 =	por !p2, p0  }
0x20: {  	[sflag:s8] =	ssyncset.s32 @!p0 $0xFFFFF086;
	s6 =	sadd.s32 @!p0 s3, s7;
	s7 =	simm.s32 @!p0 $0x108  }
0x21: {  	s3 =	sadd.s32 s3, s9;
	s6 =	sadd.s32 @!p0 $0x88, s6;
	s7 =	simm.s32 @p2 $0x1082  }
0x22: {  	[simem:s7], [sflag:s8] =	dma.local @!p0 [hbm:s6], $0xF7A  }
0x23: {  	s9 =	sor.u32 $0xD0000000, s2;
	s6 =	simm.s32 $0x108;
	_ =	swait.ge @!p0 [sflag:s8], $0x0  }
0x24: {  	s3 =	sadd.s32 $0x88, s3;
	s6 =	simm.s32 @!p1 $0x1082;
	[sflag:s4] =	ssyncset.s32 $0xFFFFF086  }
0x25: {  	[simem:s6], [sflag:s4] =	dma.local [hbm:s3], $0xF7A  }
0x26: {  	[smem:$0x3F97] =	sst s1;
	(tag) =	ssettag s2;
	_ =	strace s9  }
0x27: {  	s1 =	sld [smem:$0x3FA7]  }
0x28: {  	s2 =	sld [smem:$0x3FA8]  }
0x29: {  	s4 =	sld [smem:$0x3FAA]  }
0x2a: {  	p0 =	seq.s32 s5, $0x0;
	s5 =	sld [smem:$0x3FAB]  }
0x2b: {  	s6 =	sld [smem:$0x3FAC]  }
0x2c: {  	s7 =	sld [smem:$0x3FAD]  }
0x2d: {  	s3 =	simm.s32 $0x108;
	s8 =	sld [smem:$0x3FAE]  }
0x2e: {  	s3 =	simm.s32 @!p0 $0x1082;
	s9 =	sld [smem:$0x3FAF]  }
0x2f: {  	lr =	sadd.s32 s0, s3;
	s0 =	sld [smem:$0x3FA6]  }
0x30: {  	s3 =	sld [smem:$0x3FA9]  }
0x31: {  	[smem:$0x3FB2] =	sst s10  }
0x32: {  	s10 =	sld [smem:$0x3FB0];
	_ =	sdelay $0x3  }
0x33: {  	p0 =	seq.s32 s10, $0x1;
	s10 =	sld [smem:$0x3FB2];
	_ =	sdelay $0x3  }
0x34: {  	[smem:$0x3FB2] =	sst s10  }
0x35: {  	s10 =	sld [smem:$0x3FB1];
	_ =	sdelay $0x3  }
0x36: {  	p1 =	seq.s32 s10, $0x1;
	s10 =	sld [smem:$0x3FB2];
	_ =	sdelay $0x3  }
0x37: {  	[smem:$0x3FB2] =	sst s10  }
0x38: {  	s10 =	sld [smem:$0x3FB3]  }
0x39: {  	_ = 	snop;
	(pc) =	sbr.ind lr, $3  }
0x3a: {  	_ = 	snop  }
0x3b: {  	_ = 	snop  }
0x3c: {  	p2 =	seq.s32 s10, $0x1;
	s10 =	sld [smem:$0x3FB2]  }
0x3d: {  	_ =	shalt  }
0x3e: {  	_ =	shalt  }
0x3f: {  	_ =	shalt  }
0x40: {  	_ =	shalt  }
0x41: {  	_ =	shalt  }
0x42: {  	_ =	shalt  }
0x43: {  	_ =	shalt  }
0x44: {  	_ =	shalt  }
0x45: {  	_ =	shalt  }
0x46: {  	_ =	shalt  }
0x47: {  	_ =	shalt  }
0x48: {  	_ =	shalt  }
0x49: {  	_ =	shalt  }
0x4a: {  	_ =	shalt  }
0x4b: {  	_ =	shalt  }
0x4c: {  	_ =	shalt  }
0x4d: {  	_ =	shalt  }
0x4e: {  	_ =	shalt  }
0x4f: {  	_ =	shalt  }
0x50: {  	_ =	shalt  }
0x51: {  	_ =	shalt  }
0x52: {  	_ =	shalt  }
0x53: {  	_ =	shalt  }
0x54: {  	_ =	shalt  }
0x55: {  	_ =	shalt  }
0x56: {  	_ =	shalt  }
0x57: {  	_ =	shalt  }
0x58: {  	_ =	shalt  }
0x59: {  	_ =	shalt  }
0x5a: {  	_ =	shalt  }
0x5b: {  	_ =	shalt  }
0x5c: {  	_ =	shalt  }
0x5d: {  	_ =	shalt  }
0x5e: {  	_ =	shalt  }
0x5f: {  	_ =	shalt  }
0x60: {  	_ =	shalt  }
0x61: {  	_ =	shalt  }
0x62: {  	_ =	shalt  }
0x63: {  	_ =	shalt  }
0x64: {  	_ =	shalt  }
0x65: {  	_ =	shalt  }
0x66: {  	_ =	shalt  }
0x67: {  	_ =	shalt  }
0x68: {  	_ =	shalt  }
0x69: {  	_ =	shalt  }
0x6a: {  	_ =	shalt  }
0x6b: {  	_ =	shalt  }
0x6c: {  	_ =	shalt  }
0x6d: {  	_ =	shalt  }
0x6e: {  	_ =	shalt  }
0x6f: {  	_ =	shalt  }
0x70: {  	_ =	shalt  }
0x71: {  	_ =	shalt  }
0x72: {  	_ =	shalt  }
0x73: {  	_ =	shalt  }
0x74: {  	_ =	shalt  }
0x75: {  	_ =	shalt  }
0x76: {  	_ =	shalt  }
0x77: {  	_ =	shalt  }
0x78: {  	_ =	shalt  }
0x79: {  	_ =	shalt  }
0x7a: {  	_ =	shalt  }
0x7b: {  	_ =	shalt  }
0x7c: {  	_ =	shalt  }
0x7d: {  	_ =	shalt  }
0x7e: {  	_ =	shalt  }
0x7f: {  	_ =	shalt  }
0x80: {  	_ =	shalt  }
0x81: {  	_ =	shalt  }
0x82: {  	_ =	shalt  }
0x83: {  	_ =	shalt  }
0x84: {  	_ =	shalt  }
0x85: {  	_ =	shalt  }
0x86: {  	_ =	shalt  }
0x87: {  	_ =	shalt  }
.Lfunc_end0:
.L_simem_size_0:
called_computation_lowered:
.L_overlay_start_0:
0x88: {  	s2 =	sld [smem:$0x3FD9]  }
0x89: {  	s3 =	sld [smem:$0x3FFE];
	_ =	sdelay $0x1  }
0x8a: {  	s1 =	srdreg.scid  }
0x8b: {  	s0 =	sand.u32 $0x1, s1  }
0x8c: {  	s17 =	sshll.u32 s0, $0xA;
	s2 =	sadd.s32 s3, s2  }
0x8d: {  	s2 =	sadd.s32 s2, s17  }
0x8e: {  	[smem:$0x3FBE] =	sst s2  }
0x8f: {  	_ = 	snop  }
0x90: {  	s2 =	sld [smem:$0x3FD0];
	(tm) =	ssettm $0x1  }
0x91: {  	s18 =	sld [smem:$0x3FFB];
	_ =	sdelay $0x3  }
0x92: {  	_ =	strace s18  }
0x93: {  	s3 =	sld [smem:$0x3FFC];
	_ =	sdelay $0x3  }
0x94: {  	_ =	strace s3  }
0x95: {  	s3 =	sld [smem:$0x3FFD];
	_ =	sdelay $0x3  }
0x96: {  	_ =	strace s3  }
0x97: {  	_ =	strace $0x8FFFFFFF  }
0x98: {  	s19 =	sld [smem:$0x3FDB];
	_ =	sdelay $0x1  }
0x99: {  	s4 =	simm.s32 $_scs_section_size  }
0x9a: {  	s5 =	simm.s32 $_size__tile_overlayer_lowered;
	s6 =	simm.s32 $_tile_overlayer_lowered  }
0x9b: {  	s22 =	simm.s32 $0x1BFF;
	s21 =	sshll.u32 s6, $0x1;
	s3 =	sadd.s32 s4, s19  }
0x9c: {  	s7 =	simm.s32 $0x0;
	s20 =	sshll.u32 s5, $0x1;
	s5 =	sadd.s32 s21, s3  }
0x9d: {  	[timem:s7], [sflag:s22] =	dma.local [hbm:s5], s20  }
0x9e: {  	_ =	swait.ge [sflag:s22], s20  }
0x9f: {  	s4 =	ssub.s32 $0x0, s20;
	[sflag:s22] =	ssyncset.done $0x0  }
0xa0: {  	[sflag:s22] =	ssyncadd.s32 s4;
	_ =	sdelay $0x1  }
0xa1: {  	s23 =	simm.s32 $0x1B8B  }
0xa2: {  	_ =	swait.ge [sflag:s23], $0x1  }
0xa3: {  	[sflag:s23] =	ssyncset.done $0x0  }
0xa4: {  	s25 =	simm.s32 $0x1B8E;
	s24 =	sld [smem:$0x3FFE];
	[sflag:s23] =	ssyncadd.s32 $0xFFFFFFFF  }
0xa5: {  	s26 =	simm.s32 $execute0_lowered;
	[smem:$0x3FD2] =	sst s25  }
0xa6: {  	s5 =	sshll.u32 s26, $0x1;
	_ =	strace $0x80000046;
	[dreg:$0x1] =	wrdreg $0xFFFFFFFF  }
0xa7: {  	s28 =	simm.s32 $_size_execute0_lowered;
	s3 =	sadd.s32 s3, s5;
	[dreg:$0x0] =	wrdreg $0x0  }
0xa8: {  	s5 =	sshll.u32 s28, $0x1;
	[dreg:$0x2] =	wrdreg s3  }
0xa9: {  	[dreg:$0x3] =	wrdreg s5  }
0xaa: {  	[dreg:$0x4] =	wrdreg $0xC0  }
0xab: {  	_ =	task [dreg:s7], $0x5FFFF  }
0xac: {  	[dreg:$0x1] =	wrdreg $0xFFFFFFFF  }
0xad: {  	[dreg:$0x0] =	wrdreg $0x60  }
0xae: {  	[dreg:$0x2] =	wrdreg s24  }
0xaf: {  	[dreg:$0x3] =	wrdreg s2  }
0xb0: {  	[dreg:$0x4] =	wrdreg $0x9  }
0xb1: {  	_ =	task.clear_ibuf [dreg:s7], $0x5FFFF;
	_ =	strace $0x90000046  }
0xb2: {  	s29 =	simm.s32 $0x9;
	_ =	strace $0x80000048  }
0xb3: {  	_ =	swait.ge [sflag:s29], $0x1  }
0xb4: {  	[sflag:s29] =	ssyncadd.s32 $0xFFFFFFFF  }
0xb5: {  	_ =	strace $0x90000048  }
0xb6: {  	_ =	sfence  }
0xb7: {  	s30 =	sld [smem:$0x0];
	_ =	sdelay $0x2  }
0xb8: {  	s31 =	sshll.u32 s1, $0xD;
	s1 =	sshrl.u32 s1, $0x2  }
0xb9: {  	s3 =	sand.u32 $0x4000, s31;
	s1 =	sadd.s32 s1, s30  }
0xba: {  	s0 =	sor.u32 s3, s0;
	s1 =	sshll.u32 s1, $0x11  }
0xbb: {  	s0 =	sor.u32 s1, s0  }
0xbc: {  	s0 =	sadd.s32 $0x8F2B, s0  }
0xbd: {  	[sflag:s0] =	ssyncadd.remote.s32 $0x1  }
0xbe: {  	_ =	sfence.sel $0xFFFF  }
0xbf: {  	[dreg:$0x0] =	wrdreg $0xFFFFFFFF;
	(pc) =	sbr.abs _section_cstart, $3  }
0xc0: {  	[dreg:$0x1] =	wrdreg $0xFFFFFFFF  }
0xc1: {  	_ =	task.clear_ibuf [dreg:s7], $0x2FFFF;
	_ =	strace $0x9FFFFFFF  }
0xc2: {  	(tm) =	ssettm $0x7FFFFFFF  }
0xc3: {  	_ =	shalt  }
tec
execute0_lowered:
.L_overlay_start_1:
0x0: {  	(tag) =	ssettag $0x1  }
0x1: {  	s0 =	rddreg [dreg:$0x0]  }
0x2: {  	s1 =	rddreg [dreg:$0x1]  }
0x3: {  	s3 =	simm.s32 $0x0;
	s2 =	srdreg.scid;
	s6 =	stileid.u32  }
0x4: {  	s8 =	simm.s32 $0x1000;
	s16 =	simm.s32 $0x5000;
	s24 =	simm.s32 $0x9000  }
0x5: {  	s9 =	simm.s32 $0xD800;
	s10 =	simm.s32 $0xE000;
	s11 =	simm.s32 $0xE800  }
0x6: {  	s12 =	simm.s32 $0xF000;
	s13 =	simm.s32 $0xF800;
	s14 =	simm.s32 $0x10000  }
0x7: {  	s15 =	simm.s32 $0x10800;
	s17 =	simm.s32 $0x1;
	s18 =	simm.s32 $0x5  }
0x8: {  	s19 =	simm.s32 $0x2;
	s20 =	simm.s32 $0x6;
	s21 =	simm.s32 $0x3  }
0x9: {  	s22 =	simm.s32 $0x7;
	s23 =	simm.s32 $0x4;
	s25 =	simm.s32 $0x8  }
0xa: {  	s26 =	simm.s32 $0x0;
	[smem:$0x7FF] =	sst s3;
	s2 =	sand.u32 $0x1, s2  }
0xb: {  	s4 =	sshll.u32 s6, $0xA;
	s30 =	sshll.u32 s6, $0x11;
	_ =	strace $0x80000047  }
.Ltmp0:
0xc: {  	s5 =	sshll.u32 s2, $0x9;
	s31 =	ssub.s32 $0x2, s2;
	(pc) =	sbr.rel .LBB2_1-.Ltmp0, $4  }
0xd: {  	s2 =	sshll.u32 s2, $0x10;
	s4 =	sor.u32 s5, s4;
	s7 =	sshrl.u32 s31, $0x1  }
0xe: {  	v2 =	vlaneseq.u32;
	s5 =	sadd.s32 s30, s0;
	s0 =	sadd.s32 s4, s0;
	s6 =	ssub.s32 s31, s7  }
0xf: {  	vm0 =	vmmov $0xffff;
	v1 =	vshrl.u32 v2, $0x3;
	s2 =	sadd.s32 s2, s5;
	s7 =	simm.s32 $0x9;
	s4 =	sadd.s32 $0x1200, s0  }
0x10: {  	v0 =	vand.u32 $0x7, v2;
	v2 =	vor.u32 $0x8, v2;
	v1 =	vmul.u32 $0x8, v1;
	s5 =	smax.u32 s6, $0x1;
	s6 =	sadd.s32 $0x5200, s2;
	s2 =	simm.s32 $0xD000  }
.LBB2_4:
0x11: {  	s26 =	sadd.s32 $0x1, s26  }
0x12: {  	p0 =	sne.s32 s26, s5  }
.Ltmp1:
0x13: {  	_ = 	snop;
	(pc) =	sbr.rel @!p0 .LBB2_5-.Ltmp1, $1  }
0x14: {  	_ =	sdelay $0x3  }
.LBB2_1:
0x15: {  	[tilespmem:s3], [sflag:$0x9] =	stream.linear.gather [hbm4b:s4+s3], $0x1000, $0x38;
	[tilespmem:$0x11000] =	vst v63  }
0x16: {  	_ =	swait.ge [sflag:s7], $0x1000  }
0x17: {  	[sflag:s7] =	ssyncset.done $0x0  }
0x18: {  	[sflag:s7] =	ssyncadd.s32 $0xFFFFF000  }
0x19: {  	v3 =	vld [tilespmem:$0x0];
	_ =	sdelay $0x4  }
0x1a: {  	v4 =	vshll.u32 v3, $0x1  }
0x1b: {  	v3 =	vand.u32 $0x7, v3;
	v4 =	vand.u32 $0xFFFFFFF0, v4  }
0x1c: {  	v3 =	vor.u32 v3, v4  }
0x1d: {  	v4 =	vperm.xlane v3, v0;
	_ =	sdelay $0x1  }
0x1e: {  	v3 =	vperm.xlane v3, v2;
	v4 =	vadd.s32 v1, v4;
	_ =	sdelay $0x1  }
0x1f: {  	v3 =	vadd.s32 v1, v3;
	_ =	sdelay $0x2  }
0x20: {  	[tilespmem:s8], [sflag:$0x1] =	stream.indirect_vreg.gather [hbm4b:s1+s3], $0x80, v4, vm0, $0xb8;
	[tilespmem:$0x11000] =	vst v63  }
0x21: {  	s0 =	simm.s32 $0x1800  }
0x22: {  	[tilespmem:s0], [sflag:$0x1] =	stream.indirect_vreg.gather [hbm4b:s1+s3], $0x80, v3, vm0, $0xb8;
	[tilespmem:$0x11000] =	vst v63  }
0x23: {  	v3 =	vld [tilespmem:$0x10];
	_ =	sdelay $0x4  }
0x24: {  	v49 =	vshll.u32 v3, $0x1  }
0x25: {  	v3 =	vand.u32 $0x7, v3;
	v4 =	vand.u32 $0xFFFFFFF0, v49  }
0x26: {  	v3 =	vor.u32 v3, v4  }
0x27: {  	v4 =	vperm.xlane v3, v0;
	_ =	sdelay $0x1  }
0x28: {  	v3 =	vperm.xlane v3, v2;
	v4 =	vadd.s32 v1, v4;
	_ =	sdelay $0x1  }
0x29: {  	v3 =	vadd.s32 v1, v3;
	_ =	sdelay $0x1  }
0x2a: {  	s30 =	simm.s32 $0x2000  }
0x2b: {  	[tilespmem:s30], [sflag:$0x1] =	stream.indirect_vreg.gather [hbm4b:s1+s3], $0x80, v4, vm0, $0xb8;
	[tilespmem:$0x11000] =	vst v63  }
0x2c: {  	s31 =	simm.s32 $0x2800  }
0x2d: {  	[tilespmem:s31], [sflag:$0x1] =	stream.indirect_vreg.gather [hbm4b:s1+s3], $0x80, v3, vm0, $0xb8;
	[tilespmem:$0x11000] =	vst v63  }
0x2e: {  	v3 =	vld [tilespmem:$0x20];
	_ =	sdelay $0x4  }
0x2f: {  	v50 =	vshll.u32 v3, $0x1  }
0x30: {  	v3 =	vand.u32 $0x7, v3;
	v4 =	vand.u32 $0xFFFFFFF0, v50  }
0x31: {  	v3 =	vor.u32 v3, v4  }
0x32: {  	v4 =	vperm.xlane v3, v0;
	_ =	sdelay $0x1  }
0x33: {  	v3 =	vperm.xlane v3, v2;
	v4 =	vadd.s32 v1, v4;
	_ =	sdelay $0x1  }
0x34: {  	v3 =	vadd.s32 v1, v3;
	_ =	sdelay $0x1  }
0x35: {  	s30 =	simm.s32 $0x3000  }
0x36: {  	[tilespmem:s30], [sflag:$0x1] =	stream.indirect_vreg.gather [hbm4b:s1+s3], $0x80, v4, vm0, $0xb8;
	[tilespmem:$0x11000] =	vst v63  }
0x37: {  	s31 =	simm.s32 $0x3800  }
0x38: {  	[tilespmem:s31], [sflag:$0x1] =	stream.indirect_vreg.gather [hbm4b:s1+s3], $0x80, v3, vm0, $0xb8;
	[tilespmem:$0x11000] =	vst v63  }
0x39: {  	v3 =	vld [tilespmem:$0x30];
	_ =	sdelay $0x4  }
0x3a: {  	v51 =	vshll.u32 v3, $0x1  }
0x3b: {  	v3 =	vand.u32 $0x7, v3;
	v4 =	vand.u32 $0xFFFFFFF0, v51  }
0x3c: {  	v3 =	vor.u32 v3, v4  }
0x3d: {  	v4 =	vperm.xlane v3, v0;
	_ =	sdelay $0x1  }
0x3e: {  	v3 =	vperm.xlane v3, v2;
	v4 =	vadd.s32 v1, v4;
	_ =	sdelay $0x1  }
0x3f: {  	v3 =	vadd.s32 v1, v3;
	_ =	sdelay $0x1  }
0x40: {  	s30 =	simm.s32 $0x4000  }
0x41: {  	[tilespmem:s30], [sflag:$0x1] =	stream.indirect_vreg.gather [hbm4b:s1+s3], $0x80, v4, vm0, $0xb8;
	[tilespmem:$0x11000] =	vst v63  }
0x42: {  	s31 =	simm.s32 $0x4800  }
0x43: {  	[tilespmem:s31], [sflag:$0x1] =	stream.indirect_vreg.gather [hbm4b:s1+s3], $0x80, v3, vm0, $0xb8;
	[tilespmem:$0x11000] =	vst v63  }
0x44: {  	v3 =	vld [tilespmem:$0x80];
	_ =	sdelay $0x4  }
0x45: {  	v52 =	vshll.u32 v3, $0x1  }
0x46: {  	v3 =	vand.u32 $0x7, v3;
	v4 =	vand.u32 $0xFFFFFFF0, v52  }
0x47: {  	v3 =	vor.u32 v3, v4  }
0x48: {  	v4 =	vperm.xlane v3, v0;
	_ =	sdelay $0x1  }
0x49: {  	v3 =	vperm.xlane v3, v2;
	v4 =	vadd.s32 v1, v4;
	_ =	sdelay $0x1  }
0x4a: {  	v3 =	vadd.s32 v1, v3;
	_ =	sdelay $0x2  }
0x4b: {  	[tilespmem:s16], [sflag:$0x2] =	stream.indirect_vreg.gather [hbm4b:s1+s3], $0x80, v4, vm0, $0xb8;
	[tilespmem:$0x11000] =	vst v63  }
0x4c: {  	s30 =	simm.s32 $0x5800  }
0x4d: {  	[tilespmem:s30], [sflag:$0x2] =	stream.indirect_vreg.gather [hbm4b:s1+s3], $0x80, v3, vm0, $0xb8;
	[tilespmem:$0x11000] =	vst v63  }
0x4e: {  	v3 =	vld [tilespmem:$0x90];
	_ =	sdelay $0x4  }
0x4f: {  	v53 =	vshll.u32 v3, $0x1  }
0x50: {  	v3 =	vand.u32 $0x7, v3;
	v4 =	vand.u32 $0xFFFFFFF0, v53  }
0x51: {  	v3 =	vor.u32 v3, v4  }
0x52: {  	v4 =	vperm.xlane v3, v0;
	_ =	sdelay $0x1  }
0x53: {  	v3 =	vperm.xlane v3, v2;
	v4 =	vadd.s32 v1, v4;
	_ =	sdelay $0x1  }
0x54: {  	v3 =	vadd.s32 v1, v3;
	_ =	sdelay $0x1  }
0x55: {  	s31 =	simm.s32 $0x6000  }
0x56: {  	[tilespmem:s31], [sflag:$0x2] =	stream.indirect_vreg.gather [hbm4b:s1+s3], $0x80, v4, vm0, $0xb8;
	[tilespmem:$0x11000] =	vst v63  }
0x57: {  	s30 =	simm.s32 $0x6800  }
0x58: {  	[tilespmem:s30], [sflag:$0x2] =	stream.indirect_vreg.gather [hbm4b:s1+s3], $0x80, v3, vm0, $0xb8;
	[tilespmem:$0x11000] =	vst v63  }
0x59: {  	v3 =	vld [tilespmem:$0xA0];
	_ =	sdelay $0x4  }
0x5a: {  	v54 =	vshll.u32 v3, $0x1  }
0x5b: {  	v3 =	vand.u32 $0x7, v3;
	v4 =	vand.u32 $0xFFFFFFF0, v54  }
0x5c: {  	v3 =	vor.u32 v3, v4  }
0x5d: {  	v4 =	vperm.xlane v3, v0;
	_ =	sdelay $0x1  }
0x5e: {  	v3 =	vperm.xlane v3, v2;
	v4 =	vadd.s32 v1, v4;
	_ =	sdelay $0x1  }
0x5f: {  	v3 =	vadd.s32 v1, v3;
	_ =	sdelay $0x1  }
0x60: {  	s31 =	simm.s32 $0x7000  }
0x61: {  	[tilespmem:s31], [sflag:$0x2] =	stream.indirect_vreg.gather [hbm4b:s1+s3], $0x80, v4, vm0, $0xb8;
	[tilespmem:$0x11000] =	vst v63  }
0x62: {  	s30 =	simm.s32 $0x7800  }
0x63: {  	[tilespmem:s30], [sflag:$0x2] =	stream.indirect_vreg.gather [hbm4b:s1+s3], $0x80, v3, vm0, $0xb8;
	[tilespmem:$0x11000] =	vst v63  }
0x64: {  	v3 =	vld [tilespmem:$0xB0];
	_ =	sdelay $0x4  }
0x65: {  	v55 =	vshll.u32 v3, $0x1  }
0x66: {  	v3 =	vand.u32 $0x7, v3;
	v4 =	vand.u32 $0xFFFFFFF0, v55  }
0x67: {  	v3 =	vor.u32 v3, v4  }
0x68: {  	v4 =	vperm.xlane v3, v0;
	_ =	sdelay $0x1  }
0x69: {  	v3 =	vperm.xlane v3, v2;
	v4 =	vadd.s32 v1, v4;
	_ =	sdelay $0x1  }
0x6a: {  	v3 =	vadd.s32 v1, v3;
	_ =	sdelay $0x1  }
0x6b: {  	s31 =	simm.s32 $0x8000  }
0x6c: {  	[tilespmem:s31], [sflag:$0x2] =	stream.indirect_vreg.gather [hbm4b:s1+s3], $0x80, v4, vm0, $0xb8;
	[tilespmem:$0x11000] =	vst v63  }
0x6d: {  	s30 =	simm.s32 $0x8800  }
0x6e: {  	[tilespmem:s30], [sflag:$0x2] =	stream.indirect_vreg.gather [hbm4b:s1+s3], $0x80, v3, vm0, $0xb8;
	[tilespmem:$0x11000] =	vst v63  }
0x6f: {  	v3 =	vld [tilespmem:$0x100];
	_ =	sdelay $0x4  }
0x70: {  	v56 =	vshll.u32 v3, $0x1  }
0x71: {  	v3 =	vand.u32 $0x7, v3;
	v4 =	vand.u32 $0xFFFFFFF0, v56  }
0x72: {  	v3 =	vor.u32 v3, v4  }
0x73: {  	v4 =	vperm.xlane v3, v0;
	_ =	sdelay $0x1  }
0x74: {  	v3 =	vperm.xlane v3, v2;
	v4 =	vadd.s32 v1, v4;
	_ =	sdelay $0x1  }
0x75: {  	v3 =	vadd.s32 v1, v3;
	_ =	sdelay $0x2  }
0x76: {  	[tilespmem:s24], [sflag:$0x3] =	stream.indirect_vreg.gather [hbm4b:s1+s3], $0x80, v4, vm0, $0xb8;
	[tilespmem:$0x11000] =	vst v63  }
0x77: {  	s31 =	simm.s32 $0x9800  }
0x78: {  	[tilespmem:s31], [sflag:$0x3] =	stream.indirect_vreg.gather [hbm4b:s1+s3], $0x80, v3, vm0, $0xb8;
	[tilespmem:$0x11000] =	vst v63  }
0x79: {  	v3 =	vld [tilespmem:$0x110];
	_ =	sdelay $0x4  }
0x7a: {  	v57 =	vshll.u32 v3, $0x1  }
0x7b: {  	v3 =	vand.u32 $0x7, v3;
	v4 =	vand.u32 $0xFFFFFFF0, v57  }
0x7c: {  	v3 =	vor.u32 v3, v4  }
0x7d: {  	v4 =	vperm.xlane v3, v0;
	_ =	sdelay $0x1  }
0x7e: {  	v3 =	vperm.xlane v3, v2;
	v4 =	vadd.s32 v1, v4;
	_ =	sdelay $0x1  }
0x7f: {  	v3 =	vadd.s32 v1, v3;
	_ =	sdelay $0x1  }
0x80: {  	s30 =	simm.s32 $0xA000  }
0x81: {  	[tilespmem:s30], [sflag:$0x3] =	stream.indirect_vreg.gather [hbm4b:s1+s3], $0x80, v4, vm0, $0xb8;
	[tilespmem:$0x11000] =	vst v63  }
0x82: {  	s31 =	simm.s32 $0xA800  }
0x83: {  	[tilespmem:s31], [sflag:$0x3] =	stream.indirect_vreg.gather [hbm4b:s1+s3], $0x80, v3, vm0, $0xb8;
	[tilespmem:$0x11000] =	vst v63  }
0x84: {  	v3 =	vld [tilespmem:$0x120];
	_ =	sdelay $0x4  }
0x85: {  	v58 =	vshll.u32 v3, $0x1  }
0x86: {  	v3 =	vand.u32 $0x7, v3;
	v4 =	vand.u32 $0xFFFFFFF0, v58  }
0x87: {  	v3 =	vor.u32 v3, v4  }
0x88: {  	v4 =	vperm.xlane v3, v0;
	_ =	sdelay $0x1  }
0x89: {  	v3 =	vperm.xlane v3, v2;
	v4 =	vadd.s32 v1, v4;
	_ =	sdelay $0x1  }
0x8a: {  	v3 =	vadd.s32 v1, v3;
	_ =	sdelay $0x1  }
0x8b: {  	s30 =	simm.s32 $0xB000  }
0x8c: {  	[tilespmem:s30], [sflag:$0x3] =	stream.indirect_vreg.gather [hbm4b:s1+s3], $0x80, v4, vm0, $0xb8;
	[tilespmem:$0x11000] =	vst v63  }
0x8d: {  	s31 =	simm.s32 $0xB800  }
0x8e: {  	[tilespmem:s31], [sflag:$0x3] =	stream.indirect_vreg.gather [hbm4b:s1+s3], $0x80, v3, vm0, $0xb8;
	[tilespmem:$0x11000] =	vst v63  }
0x8f: {  	v3 =	vld [tilespmem:$0x130];
	_ =	sdelay $0x4  }
0x90: {  	v59 =	vshll.u32 v3, $0x1  }
0x91: {  	v3 =	vand.u32 $0x7, v3;
	v4 =	vand.u32 $0xFFFFFFF0, v59  }
0x92: {  	v3 =	vor.u32 v3, v4  }
0x93: {  	v4 =	vperm.xlane v3, v0;
	_ =	sdelay $0x1  }
0x94: {  	v3 =	vperm.xlane v3, v2;
	v4 =	vadd.s32 v1, v4;
	_ =	sdelay $0x1  }
0x95: {  	v3 =	vadd.s32 v1, v3;
	_ =	sdelay $0x1  }
0x96: {  	s30 =	simm.s32 $0xC000  }
0x97: {  	[tilespmem:s30], [sflag:$0x3] =	stream.indirect_vreg.gather [hbm4b:s1+s3], $0x80, v4, vm0, $0xb8;
	[tilespmem:$0x11000] =	vst v63  }
0x98: {  	s31 =	simm.s32 $0xC800  }
0x99: {  	[tilespmem:s31], [sflag:$0x3] =	stream.indirect_vreg.gather [hbm4b:s1+s3], $0x80, v3, vm0, $0xb8;
	[tilespmem:$0x11000] =	vst v63  }
0x9a: {  	v3 =	vld [tilespmem:$0x180];
	_ =	sdelay $0x4  }
0x9b: {  	v60 =	vshll.u32 v3, $0x1  }
0x9c: {  	v3 =	vand.u32 $0x7, v3;
	v4 =	vand.u32 $0xFFFFFFF0, v60  }
0x9d: {  	v3 =	vor.u32 v3, v4  }
0x9e: {  	v4 =	vperm.xlane v3, v0;
	_ =	sdelay $0x1  }
0x9f: {  	v3 =	vperm.xlane v3, v2;
	v4 =	vadd.s32 v1, v4;
	_ =	sdelay $0x1  }
0xa0: {  	v3 =	vadd.s32 v1, v3;
	_ =	sdelay $0x2  }
0xa1: {  	[tilespmem:s2], [sflag:$0x4] =	stream.indirect_vreg.gather [hbm4b:s1+s3], $0x80, v4, vm0, $0xb8;
	[tilespmem:$0x11000] =	vst v63  }
0xa2: {  	_ = 	snop  }
0xa3: {  	[tilespmem:s9], [sflag:$0x4] =	stream.indirect_vreg.gather [hbm4b:s1+s3], $0x80, v3, vm0, $0xb8;
	[tilespmem:$0x11000] =	vst v63  }
0xa4: {  	v3 =	vld [tilespmem:$0x190];
	_ =	sdelay $0x4  }
0xa5: {  	v61 =	vshll.u32 v3, $0x1  }
0xa6: {  	v3 =	vand.u32 $0x7, v3;
	v4 =	vand.u32 $0xFFFFFFF0, v61  }
0xa7: {  	v3 =	vor.u32 v3, v4  }
0xa8: {  	v4 =	vperm.xlane v3, v0;
	_ =	sdelay $0x1  }
0xa9: {  	v3 =	vperm.xlane v3, v2;
	v4 =	vadd.s32 v1, v4;
	_ =	sdelay $0x1  }
0xaa: {  	v3 =	vadd.s32 v1, v3;
	_ =	sdelay $0x2  }
0xab: {  	[tilespmem:s10], [sflag:$0x4] =	stream.indirect_vreg.gather [hbm4b:s1+s3], $0x80, v4, vm0, $0xb8;
	[tilespmem:$0x11000] =	vst v63  }
0xac: {  	_ = 	snop  }
0xad: {  	[tilespmem:s11], [sflag:$0x4] =	stream.indirect_vreg.gather [hbm4b:s1+s3], $0x80, v3, vm0, $0xb8;
	[tilespmem:$0x11000] =	vst v63  }
0xae: {  	v3 =	vld [tilespmem:$0x1A0];
	_ =	sdelay $0x4  }
0xaf: {  	v62 =	vshll.u32 v3, $0x1  }
0xb0: {  	v3 =	vand.u32 $0x7, v3;
	v4 =	vand.u32 $0xFFFFFFF0, v62  }
0xb1: {  	v3 =	vor.u32 v3, v4  }
0xb2: {  	v4 =	vperm.xlane v3, v0;
	_ =	sdelay $0x1  }
0xb3: {  	v3 =	vperm.xlane v3, v2;
	v4 =	vadd.s32 v1, v4;
	_ =	sdelay $0x1  }
0xb4: {  	v3 =	vadd.s32 v1, v3;
	_ =	sdelay $0x2  }
0xb5: {  	[tilespmem:s12], [sflag:$0x4] =	stream.indirect_vreg.gather [hbm4b:s1+s3], $0x80, v4, vm0, $0xb8;
	[tilespmem:$0x11000] =	vst v63  }
0xb6: {  	_ = 	snop  }
0xb7: {  	[tilespmem:s13], [sflag:$0x4] =	stream.indirect_vreg.gather [hbm4b:s1+s3], $0x80, v3, vm0, $0xb8;
	[tilespmem:$0x11000] =	vst v63  }
0xb8: {  	v3 =	vld [tilespmem:$0x1B0];
	_ =	sdelay $0x4  }
0xb9: {  	v63 =	vshll.u32 v3, $0x1  }
0xba: {  	v3 =	vand.u32 $0x7, v3;
	v4 =	vand.u32 $0xFFFFFFF0, v63  }
0xbb: {  	v3 =	vor.u32 v3, v4  }
0xbc: {  	v4 =	vperm.xlane v3, v0;
	_ =	sdelay $0x1  }
0xbd: {  	v3 =	vperm.xlane v3, v2;
	v4 =	vadd.s32 v1, v4;
	_ =	sdelay $0x1  }
0xbe: {  	v3 =	vadd.s32 v1, v3;
	_ =	sdelay $0x2  }
0xbf: {  	[tilespmem:s14], [sflag:$0x4] =	stream.indirect_vreg.gather [hbm4b:s1+s3], $0x80, v4, vm0, $0xb8;
	[tilespmem:$0x11000] =	vst v63  }
0xc0: {  	s28 =	simm.s32 $0x3B0;
	s29 =	simm.s32 $0x0  }
0xc1: {  	[tilespmem:s15], [sflag:$0x4] =	stream.indirect_vreg.gather [hbm4b:s1+s3], $0x80, v3, vm0, $0xb8;
	[tilespmem:$0x11000] =	vst v63  }
.LBB2_2:
0xc2: {  	_ =	swait.ge [sflag:s17], $0x4000  }
0xc3: {  	[sflag:s17] =	ssyncset.done $0x0  }
0xc4: {  	s30 =	sadd.s32 s29, s6;
	[sflag:s17] =	ssyncadd.s32 $0xFFFFC000  }
0xc5: {  	[hbm4b:s30+s3] =	stream.linear.scatter [tilespmem:s8], [sflag:$0x5], $0x4000, $0x38;
	[tilespmem:$0x11000] =	vst v63  }
0xc6: {  	_ =	swait.ge [sflag:s18], $0x4000  }
0xc7: {  	[sflag:s18] =	ssyncset.done $0x0  }
0xc8: {  	p0 =	seq.s32 s29, $0xE000;
	[sflag:s18] =	ssyncadd.s32 $0xFFFFC000  }
0xc9: {  	v3 =	vld @!p0 [tilespmem:s28+$0xFFFFFE50];
	_ =	sdelay $0x4  }
0xca: {  	v4 =	vshll.u32 @!p0 v3, $0x1  }
0xcb: {  	v5 =	vlaneseq.u32 @!p0;
	v3 =	vand.u32 @!p0 $0x7, v3;
	v4 =	vand.u32 @!p0 $0xFFFFFFF0, v4  }
0xcc: {  	v6 =	vor.u32 @!p0 v3, v4;
	v3 =	vand.u32 @!p0 $0x7, v5;
	v4 =	vshrl.u32 @!p0 v5, $0x3  }
0xcd: {  	v7 =	vperm.xlane @!p0 v6, v3;
	v4 =	vmul.u32 @!p0 $0x8, v4  }
0xce: {  	v5 =	vor.u32 @!p0 $0x8, v5  }
0xcf: {  	v6 =	vperm.xlane @!p0 v6, v5;
	v7 =	vadd.s32 @!p0 v4, v7;
	_ =	sdelay $0x1  }
0xd0: {  	v6 =	vadd.s32 @!p0 v4, v6;
	_ =	sdelay $0x1  }
0xd1: {  	vm1 =	vmmov @!p0 $0xffff;
	s31 =	simm.s32 @!p0 $0x0;
	s0 =	simm.s32 @!p0 $0x1000  }
0xd2: {  	[tilespmem:s0], [sflag:$0x1] =	stream.indirect_vreg.gather @!p0 [hbm4b:s1+s31], $0x80, v7, vm1, $0xb8;
	[tilespmem:$0x11000] =	vst v63  }
0xd3: {  	s0 =	simm.s32 @!p0 $0x1800  }
0xd4: {  	[tilespmem:s0], [sflag:$0x1] =	stream.indirect_vreg.gather @!p0 [hbm4b:s1+s31], $0x80, v6, vm1, $0xb8;
	[tilespmem:$0x11000] =	vst v63  }
0xd5: {  	v6 =	vld @!p0 [tilespmem:s28+$0xFFFFFE60];
	_ =	sdelay $0x4  }
0xd6: {  	v7 =	vshll.u32 @!p0 v6, $0x1  }
0xd7: {  	v6 =	vand.u32 @!p0 $0x7, v6;
	v7 =	vand.u32 @!p0 $0xFFFFFFF0, v7  }
0xd8: {  	v6 =	vor.u32 @!p0 v6, v7  }
0xd9: {  	v7 =	vperm.xlane @!p0 v6, v3;
	_ =	sdelay $0x1  }
0xda: {  	v6 =	vperm.xlane @!p0 v6, v5;
	v7 =	vadd.s32 @!p0 v4, v7;
	_ =	sdelay $0x1  }
0xdb: {  	v6 =	vadd.s32 @!p0 v4, v6;
	_ =	sdelay $0x1  }
0xdc: {  	s0 =	simm.s32 @!p0 $0x2000  }
0xdd: {  	[tilespmem:s0], [sflag:$0x1] =	stream.indirect_vreg.gather @!p0 [hbm4b:s1+s31], $0x80, v7, vm1, $0xb8;
	[tilespmem:$0x11000] =	vst v63  }
0xde: {  	s0 =	simm.s32 @!p0 $0x2800  }
0xdf: {  	[tilespmem:s0], [sflag:$0x1] =	stream.indirect_vreg.gather @!p0 [hbm4b:s1+s31], $0x80, v6, vm1, $0xb8;
	[tilespmem:$0x11000] =	vst v63  }
0xe0: {  	v6 =	vld @!p0 [tilespmem:s28+$0xFFFFFE70];
	_ =	sdelay $0x4  }
0xe1: {  	v7 =	vshll.u32 @!p0 v6, $0x1  }
0xe2: {  	v6 =	vand.u32 @!p0 $0x7, v6;
	v7 =	vand.u32 @!p0 $0xFFFFFFF0, v7  }
0xe3: {  	v6 =	vor.u32 @!p0 v6, v7  }
0xe4: {  	v7 =	vperm.xlane @!p0 v6, v3;
	_ =	sdelay $0x1  }
0xe5: {  	v6 =	vperm.xlane @!p0 v6, v5;
	v7 =	vadd.s32 @!p0 v4, v7;
	_ =	sdelay $0x1  }
0xe6: {  	v6 =	vadd.s32 @!p0 v4, v6;
	_ =	sdelay $0x1  }
0xe7: {  	s0 =	simm.s32 @!p0 $0x3000  }
0xe8: {  	[tilespmem:s0], [sflag:$0x1] =	stream.indirect_vreg.gather @!p0 [hbm4b:s1+s31], $0x80, v7, vm1, $0xb8;
	[tilespmem:$0x11000] =	vst v63  }
0xe9: {  	s0 =	simm.s32 @!p0 $0x3800  }
0xea: {  	[tilespmem:s0], [sflag:$0x1] =	stream.indirect_vreg.gather @!p0 [hbm4b:s1+s31], $0x80, v6, vm1, $0xb8;
	[tilespmem:$0x11000] =	vst v63  }
0xeb: {  	v6 =	vld @!p0 [tilespmem:s28+$0xFFFFFE80];
	_ =	sdelay $0x4  }
0xec: {  	v7 =	vshll.u32 @!p0 v6, $0x1  }
0xed: {  	v6 =	vand.u32 @!p0 $0x7, v6;
	v7 =	vand.u32 @!p0 $0xFFFFFFF0, v7  }
0xee: {  	v6 =	vor.u32 @!p0 v6, v7  }
0xef: {  	v7 =	vperm.xlane @!p0 v6, v3;
	_ =	sdelay $0x1  }
0xf0: {  	v6 =	vperm.xlane @!p0 v6, v5;
	v7 =	vadd.s32 @!p0 v4, v7;
	_ =	sdelay $0x1  }
0xf1: {  	v6 =	vadd.s32 @!p0 v4, v6;
	_ =	sdelay $0x1  }
0xf2: {  	s0 =	simm.s32 @!p0 $0x4000  }
0xf3: {  	[tilespmem:s0], [sflag:$0x1] =	stream.indirect_vreg.gather @!p0 [hbm4b:s1+s31], $0x80, v7, vm1, $0xb8;
	[tilespmem:$0x11000] =	vst v63  }
0xf4: {  	s0 =	simm.s32 @!p0 $0x4800  }
0xf5: {  	[tilespmem:s0], [sflag:$0x1] =	stream.indirect_vreg.gather @!p0 [hbm4b:s1+s31], $0x80, v6, vm1, $0xb8;
	[tilespmem:$0x11000] =	vst v63  }
0xf6: {  	_ =	swait.ge [sflag:s19], $0x4000  }
0xf7: {  	[sflag:s19] =	ssyncset.done $0x0  }
0xf8: {  	s0 =	sadd.s32 $0x800, s30;
	[sflag:s19] =	ssyncadd.s32 $0xFFFFC000  }
0xf9: {  	[hbm4b:s0+s3] =	stream.linear.scatter [tilespmem:s16], [sflag:$0x6], $0x4000, $0x38;
	[tilespmem:$0x11000] =	vst v63  }
0xfa: {  	_ =	swait.ge [sflag:s20], $0x4000  }
0xfb: {  	[sflag:s20] =	ssyncset.done $0x0  }
0xfc: {  	[sflag:s20] =	ssyncadd.s32 $0xFFFFC000  }
0xfd: {  	v6 =	vld @!p0 [tilespmem:s28+$0xFFFFFED0];
	_ =	sdelay $0x4  }
0xfe: {  	v7 =	vshll.u32 @!p0 v6, $0x1  }
0xff: {  	v6 =	vand.u32 @!p0 $0x7, v6;
	v7 =	vand.u32 @!p0 $0xFFFFFFF0, v7  }
0x100: {  	v6 =	vor.u32 @!p0 v6, v7  }
0x101: {  	v7 =	vperm.xlane @!p0 v6, v3;
	_ =	sdelay $0x1  }
0x102: {  	v6 =	vperm.xlane @!p0 v6, v5;
	v7 =	vadd.s32 @!p0 v4, v7;
	_ =	sdelay $0x1  }
0x103: {  	v6 =	vadd.s32 @!p0 v4, v6;
	_ =	sdelay $0x1  }
0x104: {  	s0 =	simm.s32 @!p0 $0x5000  }
0x105: {  	[tilespmem:s0], [sflag:$0x2] =	stream.indirect_vreg.gather @!p0 [hbm4b:s1+s31], $0x80, v7, vm1, $0xb8;
	[tilespmem:$0x11000] =	vst v63  }
0x106: {  	s0 =	simm.s32 @!p0 $0x5800  }
0x107: {  	[tilespmem:s0], [sflag:$0x2] =	stream.indirect_vreg.gather @!p0 [hbm4b:s1+s31], $0x80, v6, vm1, $0xb8;
	[tilespmem:$0x11000] =	vst v63  }
0x108: {  	v6 =	vld @!p0 [tilespmem:s28+$0xFFFFFEE0];
	_ =	sdelay $0x4  }
0x109: {  	v7 =	vshll.u32 @!p0 v6, $0x1  }
0x10a: {  	v6 =	vand.u32 @!p0 $0x7, v6;
	v7 =	vand.u32 @!p0 $0xFFFFFFF0, v7  }
0x10b: {  	v6 =	vor.u32 @!p0 v6, v7  }
0x10c: {  	v7 =	vperm.xlane @!p0 v6, v3;
	_ =	sdelay $0x1  }
0x10d: {  	v6 =	vperm.xlane @!p0 v6, v5;
	v7 =	vadd.s32 @!p0 v4, v7;
	_ =	sdelay $0x1  }
0x10e: {  	v6 =	vadd.s32 @!p0 v4, v6;
	_ =	sdelay $0x1  }
0x10f: {  	s0 =	simm.s32 @!p0 $0x6000  }
0x110: {  	[tilespmem:s0], [sflag:$0x2] =	stream.indirect_vreg.gather @!p0 [hbm4b:s1+s31], $0x80, v7, vm1, $0xb8;
	[tilespmem:$0x11000] =	vst v63  }
0x111: {  	s0 =	simm.s32 @!p0 $0x6800  }
0x112: {  	[tilespmem:s0], [sflag:$0x2] =	stream.indirect_vreg.gather @!p0 [hbm4b:s1+s31], $0x80, v6, vm1, $0xb8;
	[tilespmem:$0x11000] =	vst v63  }
0x113: {  	v6 =	vld @!p0 [tilespmem:s28+$0xFFFFFEF0];
	_ =	sdelay $0x4  }
0x114: {  	v7 =	vshll.u32 @!p0 v6, $0x1  }
0x115: {  	v6 =	vand.u32 @!p0 $0x7, v6;
	v7 =	vand.u32 @!p0 $0xFFFFFFF0, v7  }
0x116: {  	v6 =	vor.u32 @!p0 v6, v7  }
0x117: {  	v7 =	vperm.xlane @!p0 v6, v3;
	_ =	sdelay $0x1  }
0x118: {  	v6 =	vperm.xlane @!p0 v6, v5;
	v7 =	vadd.s32 @!p0 v4, v7;
	_ =	sdelay $0x1  }
0x119: {  	v6 =	vadd.s32 @!p0 v4, v6;
	_ =	sdelay $0x1  }
0x11a: {  	s0 =	simm.s32 @!p0 $0x7000  }
0x11b: {  	[tilespmem:s0], [sflag:$0x2] =	stream.indirect_vreg.gather @!p0 [hbm4b:s1+s31], $0x80, v7, vm1, $0xb8;
	[tilespmem:$0x11000] =	vst v63  }
0x11c: {  	s0 =	simm.s32 @!p0 $0x7800  }
0x11d: {  	[tilespmem:s0], [sflag:$0x2] =	stream.indirect_vreg.gather @!p0 [hbm4b:s1+s31], $0x80, v6, vm1, $0xb8;
	[tilespmem:$0x11000] =	vst v63  }
0x11e: {  	v6 =	vld @!p0 [tilespmem:s28+$0xFFFFFF00];
	_ =	sdelay $0x4  }
0x11f: {  	v7 =	vshll.u32 @!p0 v6, $0x1  }
0x120: {  	v6 =	vand.u32 @!p0 $0x7, v6;
	v7 =	vand.u32 @!p0 $0xFFFFFFF0, v7  }
0x121: {  	v6 =	vor.u32 @!p0 v6, v7  }
0x122: {  	v7 =	vperm.xlane @!p0 v6, v3;
	_ =	sdelay $0x1  }
0x123: {  	v6 =	vperm.xlane @!p0 v6, v5;
	v7 =	vadd.s32 @!p0 v4, v7;
	_ =	sdelay $0x1  }
0x124: {  	v6 =	vadd.s32 @!p0 v4, v6;
	_ =	sdelay $0x1  }
0x125: {  	s0 =	simm.s32 @!p0 $0x8000  }
0x126: {  	[tilespmem:s0], [sflag:$0x2] =	stream.indirect_vreg.gather @!p0 [hbm4b:s1+s31], $0x80, v7, vm1, $0xb8;
	[tilespmem:$0x11000] =	vst v63  }
0x127: {  	s0 =	simm.s32 @!p0 $0x8800  }
0x128: {  	[tilespmem:s0], [sflag:$0x2] =	stream.indirect_vreg.gather @!p0 [hbm4b:s1+s31], $0x80, v6, vm1, $0xb8;
	[tilespmem:$0x11000] =	vst v63  }
0x129: {  	_ =	swait.ge [sflag:s21], $0x4000  }
0x12a: {  	[sflag:s21] =	ssyncset.done $0x0  }
0x12b: {  	s0 =	sadd.s32 $0x1000, s30;
	[sflag:s21] =	ssyncadd.s32 $0xFFFFC000  }
0x12c: {  	[hbm4b:s0+s3] =	stream.linear.scatter [tilespmem:s24], [sflag:$0x7], $0x4000, $0x38;
	[tilespmem:$0x11000] =	vst v63  }
0x12d: {  	_ =	swait.ge [sflag:s22], $0x4000  }
0x12e: {  	[sflag:s22] =	ssyncset.done $0x0  }
0x12f: {  	[sflag:s22] =	ssyncadd.s32 $0xFFFFC000  }
0x130: {  	v6 =	vld @!p0 [tilespmem:s28+$0xFFFFFF50];
	_ =	sdelay $0x4  }
0x131: {  	v7 =	vshll.u32 @!p0 v6, $0x1  }
0x132: {  	v6 =	vand.u32 @!p0 $0x7, v6;
	v7 =	vand.u32 @!p0 $0xFFFFFFF0, v7  }
0x133: {  	v6 =	vor.u32 @!p0 v6, v7  }
0x134: {  	v7 =	vperm.xlane @!p0 v6, v3;
	_ =	sdelay $0x1  }
0x135: {  	v6 =	vperm.xlane @!p0 v6, v5;
	v7 =	vadd.s32 @!p0 v4, v7;
	_ =	sdelay $0x1  }
0x136: {  	v6 =	vadd.s32 @!p0 v4, v6;
	_ =	sdelay $0x1  }
0x137: {  	s0 =	simm.s32 @!p0 $0x9000  }
0x138: {  	[tilespmem:s0], [sflag:$0x3] =	stream.indirect_vreg.gather @!p0 [hbm4b:s1+s31], $0x80, v7, vm1, $0xb8;
	[tilespmem:$0x11000] =	vst v63  }
0x139: {  	s0 =	simm.s32 @!p0 $0x9800  }
0x13a: {  	[tilespmem:s0], [sflag:$0x3] =	stream.indirect_vreg.gather @!p0 [hbm4b:s1+s31], $0x80, v6, vm1, $0xb8;
	[tilespmem:$0x11000] =	vst v63  }
0x13b: {  	v6 =	vld @!p0 [tilespmem:s28+$0xFFFFFF60];
	_ =	sdelay $0x4  }
0x13c: {  	v7 =	vshll.u32 @!p0 v6, $0x1  }
0x13d: {  	v6 =	vand.u32 @!p0 $0x7, v6;
	v7 =	vand.u32 @!p0 $0xFFFFFFF0, v7  }
0x13e: {  	v6 =	vor.u32 @!p0 v6, v7  }
0x13f: {  	v7 =	vperm.xlane @!p0 v6, v3;
	_ =	sdelay $0x1  }
0x140: {  	v6 =	vperm.xlane @!p0 v6, v5;
	v7 =	vadd.s32 @!p0 v4, v7;
	_ =	sdelay $0x1  }
0x141: {  	v6 =	vadd.s32 @!p0 v4, v6;
	_ =	sdelay $0x1  }
0x142: {  	s0 =	simm.s32 @!p0 $0xA000  }
0x143: {  	[tilespmem:s0], [sflag:$0x3] =	stream.indirect_vreg.gather @!p0 [hbm4b:s1+s31], $0x80, v7, vm1, $0xb8;
	[tilespmem:$0x11000] =	vst v63  }
0x144: {  	s0 =	simm.s32 @!p0 $0xA800  }
0x145: {  	[tilespmem:s0], [sflag:$0x3] =	stream.indirect_vreg.gather @!p0 [hbm4b:s1+s31], $0x80, v6, vm1, $0xb8;
	[tilespmem:$0x11000] =	vst v63  }
0x146: {  	v6 =	vld @!p0 [tilespmem:s28+$0xFFFFFF70];
	_ =	sdelay $0x4  }
0x147: {  	v7 =	vshll.u32 @!p0 v6, $0x1  }
0x148: {  	v6 =	vand.u32 @!p0 $0x7, v6;
	v7 =	vand.u32 @!p0 $0xFFFFFFF0, v7  }
0x149: {  	v6 =	vor.u32 @!p0 v6, v7  }
0x14a: {  	v7 =	vperm.xlane @!p0 v6, v3;
	_ =	sdelay $0x1  }
0x14b: {  	v6 =	vperm.xlane @!p0 v6, v5;
	v7 =	vadd.s32 @!p0 v4, v7;
	_ =	sdelay $0x1  }
0x14c: {  	v6 =	vadd.s32 @!p0 v4, v6;
	_ =	sdelay $0x1  }
0x14d: {  	s0 =	simm.s32 @!p0 $0xB000  }
0x14e: {  	[tilespmem:s0], [sflag:$0x3] =	stream.indirect_vreg.gather @!p0 [hbm4b:s1+s31], $0x80, v7, vm1, $0xb8;
	[tilespmem:$0x11000] =	vst v63  }
0x14f: {  	s0 =	simm.s32 @!p0 $0xB800  }
0x150: {  	[tilespmem:s0], [sflag:$0x3] =	stream.indirect_vreg.gather @!p0 [hbm4b:s1+s31], $0x80, v6, vm1, $0xb8;
	[tilespmem:$0x11000] =	vst v63  }
0x151: {  	v6 =	vld @!p0 [tilespmem:s28+$0xFFFFFF80];
	_ =	sdelay $0x4  }
0x152: {  	v7 =	vshll.u32 @!p0 v6, $0x1  }
0x153: {  	v6 =	vand.u32 @!p0 $0x7, v6;
	v7 =	vand.u32 @!p0 $0xFFFFFFF0, v7  }
0x154: {  	v6 =	vor.u32 @!p0 v6, v7  }
0x155: {  	v3 =	vperm.xlane @!p0 v6, v3;
	_ =	sdelay $0x1  }
0x156: {  	v5 =	vperm.xlane @!p0 v6, v5;
	v3 =	vadd.s32 @!p0 v4, v3;
	_ =	sdelay $0x1  }
0x157: {  	v4 =	vadd.s32 @!p0 v4, v5;
	_ =	sdelay $0x1  }
0x158: {  	s0 =	simm.s32 @!p0 $0xC000  }
0x159: {  	[tilespmem:s0], [sflag:$0x3] =	stream.indirect_vreg.gather @!p0 [hbm4b:s1+s31], $0x80, v3, vm1, $0xb8;
	[tilespmem:$0x11000] =	vst v63  }
0x15a: {  	s0 =	simm.s32 @!p0 $0xC800  }
0x15b: {  	[tilespmem:s0], [sflag:$0x3] =	stream.indirect_vreg.gather @!p0 [hbm4b:s1+s31], $0x80, v4, vm1, $0xb8;
	[tilespmem:$0x11000] =	vst v63  }
0x15c: {  	_ =	swait.ge [sflag:s23], $0x4000  }
0x15d: {  	[sflag:s23] =	ssyncset.done $0x0  }
.Ltmp2:
0x15e: {  	s31 =	sadd.s32 $0x1800, s30;
	[sflag:s23] =	ssyncadd.s32 $0xFFFFC000;
	(pc) =	sbr.rel @p0 .LBB2_4-.Ltmp2, $4  }
0x15f: {  	[hbm4b:s31+s3] =	stream.linear.scatter [tilespmem:s2], [sflag:$0x8], $0x4000, $0x38;
	[tilespmem:$0x11000] =	vst v63  }
0x160: {  	_ =	swait.ge [sflag:s25], $0x4000  }
0x161: {  	[sflag:s25] =	ssyncset.done $0x0  }
0x162: {  	[sflag:s25] =	ssyncadd.s32 $0xFFFFC000  }
0x163: {  	v3 =	vld [tilespmem:s28+$0xFFFFFFD0];
	_ =	sdelay $0x4  }
0x164: {  	v4 =	vshll.u32 v3, $0x1  }
0x165: {  	v3 =	vand.u32 $0x7, v3;
	v4 =	vand.u32 $0xFFFFFFF0, v4  }
0x166: {  	v3 =	vor.u32 v3, v4  }
0x167: {  	v4 =	vperm.xlane v3, v0;
	_ =	sdelay $0x1  }
0x168: {  	v3 =	vperm.xlane v3, v2;
	v4 =	vadd.s32 v1, v4;
	_ =	sdelay $0x1  }
0x169: {  	v3 =	vadd.s32 v1, v3;
	_ =	sdelay $0x2  }
0x16a: {  	[tilespmem:s2], [sflag:$0x4] =	stream.indirect_vreg.gather [hbm4b:s1+s3], $0x80, v4, vm0, $0xb8;
	[tilespmem:$0x11000] =	vst v63  }
0x16b: {  	_ = 	snop  }
0x16c: {  	[tilespmem:s9], [sflag:$0x4] =	stream.indirect_vreg.gather [hbm4b:s1+s3], $0x80, v3, vm0, $0xb8;
	[tilespmem:$0x11000] =	vst v63  }
0x16d: {  	v3 =	vld [tilespmem:s28+$0xFFFFFFE0];
	_ =	sdelay $0x4  }
0x16e: {  	v61 =	vshll.u32 v3, $0x1  }
0x16f: {  	v3 =	vand.u32 $0x7, v3;
	v4 =	vand.u32 $0xFFFFFFF0, v61  }
0x170: {  	v3 =	vor.u32 v3, v4  }
0x171: {  	v4 =	vperm.xlane v3, v0;
	_ =	sdelay $0x1  }
0x172: {  	v3 =	vperm.xlane v3, v2;
	v4 =	vadd.s32 v1, v4;
	_ =	sdelay $0x1  }
0x173: {  	v3 =	vadd.s32 v1, v3;
	_ =	sdelay $0x2  }
0x174: {  	[tilespmem:s10], [sflag:$0x4] =	stream.indirect_vreg.gather [hbm4b:s1+s3], $0x80, v4, vm0, $0xb8;
	[tilespmem:$0x11000] =	vst v63  }
0x175: {  	_ = 	snop  }
0x176: {  	[tilespmem:s11], [sflag:$0x4] =	stream.indirect_vreg.gather [hbm4b:s1+s3], $0x80, v3, vm0, $0xb8;
	[tilespmem:$0x11000] =	vst v63  }
0x177: {  	v3 =	vld [tilespmem:s28+$0xFFFFFFF0];
	_ =	sdelay $0x4  }
0x178: {  	v62 =	vshll.u32 v3, $0x1  }
0x179: {  	v3 =	vand.u32 $0x7, v3;
	v4 =	vand.u32 $0xFFFFFFF0, v62  }
0x17a: {  	v3 =	vor.u32 v3, v4  }
0x17b: {  	v4 =	vperm.xlane v3, v0;
	_ =	sdelay $0x1  }
0x17c: {  	v3 =	vperm.xlane v3, v2;
	v4 =	vadd.s32 v1, v4;
	_ =	sdelay $0x1  }
0x17d: {  	v3 =	vadd.s32 v1, v3;
	_ =	sdelay $0x2  }
0x17e: {  	[tilespmem:s12], [sflag:$0x4] =	stream.indirect_vreg.gather [hbm4b:s1+s3], $0x80, v4, vm0, $0xb8;
	[tilespmem:$0x11000] =	vst v63  }
0x17f: {  	_ = 	snop  }
0x180: {  	[tilespmem:s13], [sflag:$0x4] =	stream.indirect_vreg.gather [hbm4b:s1+s3], $0x80, v3, vm0, $0xb8;
	[tilespmem:$0x11000] =	vst v63  }
0x181: {  	v3 =	vld [tilespmem:s28+$0x0];
	_ =	sdelay $0x4  }
0x182: {  	v63 =	vshll.u32 v3, $0x1  }
0x183: {  	v3 =	vand.u32 $0x7, v3;
	v4 =	vand.u32 $0xFFFFFFF0, v63  }
0x184: {  	v3 =	vor.u32 v3, v4  }
0x185: {  	v4 =	vperm.xlane v3, v0;
	_ =	sdelay $0x1  }
0x186: {  	v3 =	vperm.xlane v3, v2;
	v4 =	vadd.s32 v1, v4;
	_ =	sdelay $0x1  }
0x187: {  	v3 =	vadd.s32 v1, v3  }
.Ltmp3:
0x188: {  	_ = 	snop;
	(pc) =	sbr.rel .LBB2_2-.Ltmp3, $4  }
0x189: {  	_ = 	snop  }
0x18a: {  	[tilespmem:s14], [sflag:$0x4] =	stream.indirect_vreg.gather [hbm4b:s1+s3], $0x80, v4, vm0, $0xb8;
	[tilespmem:$0x11000] =	vst v63  }
0x18b: {  	s29 =	sadd.s32 $0x2000, s29;
	s28 =	sadd.s32 $0x200, s28  }
0x18c: {  	[tilespmem:s15], [sflag:$0x4] =	stream.indirect_vreg.gather [hbm4b:s1+s3], $0x80, v3, vm0, $0xb8;
	[tilespmem:$0x11000] =	vst v63  }
.LBB2_5:
0x18d: {  	_ =	sfence.sel $0x180000  }
0x18e: {  	[bflag:$0x0] =	sbarrier.arrive $0xFFFF  }
0x18f: {  	_ =	strace $0x90000047  }
0x190: {  	s0 =	stileid.u32;
	[bflag:$0x2] =	sbarrier.arrive $0xFFFF  }
0x191: {  	p0 =	sne.s32 s0, $0x0;
	s0 =	rddreg [dreg:$0x2]  }
0x192: {  	s0 =	sadd.s32 @!p0 $0x100000, s0  }
0x193: {  	[sflag:s0] =	ssyncadd.tile.s32 @!p0 $0x1;
	_ =	shalt  }
.Lfunc_end2:
_tile_overlayer_lowered:
.L_overlay_start_2:
0x194: {  	(tag) =	ssettag $0x2  }
0x195: {  	s0 =	rddreg [dreg:$0x0];
	s2 =	stileid.u32  }
0x196: {  	s1 =	rddreg [dreg:$0x1];
	p0 =	sne.s32 s2, $0x0  }
0x197: {  	s3 =	rddreg [dreg:$0x2];
	[bflag:$0x3] =	sbarrier.arrive $0xFFFF;
	s2 =	simm.s32 @!p0 $0x1C09  }
0x198: {  	[timem:s3], [sflag:s2] =	dma.local @!p0 [hbm:s0], s1  }
0x199: {  	s0 =	simm.s32 @!p0 $0x9  }
0x19a: {  	_ =	swait.ge @!p0 [sflag:s0], s1  }
0x19b: {  	s1 =	ssub.s32 @!p0 $0x0, s1;
	[sflag:s0] =	ssyncset.done @!p0 $0x0  }
0x19c: {  	[sflag:s0] =	ssyncadd.s32 @!p0 s1  }
0x19d: {  	[bflag:$0x3] =	sbarrier.arrive $0xFFFF  }
0x19e: {  	_ =	shalt  }

</sc_bundles>
